<compile_context>
chip_gen: v7x
topology: tpu7x:2x2x1
jax: 0.10.2.dev20260603
libtpu: 0.0.44.dev20260713+nightly
codegen_flags: <defaults>
</compile_context>

<pallas_src>
import functools

import jax
import jax.numpy as jnp
from jax import lax
from jax.experimental import pallas as pl
from jax.experimental.pallas import tpu as pltpu
from jax.experimental.pallas import tpu_sc as plsc

N_NODES = 10000
DIM = 128
E_EDGES = 320000

NC = 2
NS = 16
NW = NC * NS

N_PAD = 10240
RPT = N_PAD // NS
K = 128
EPT = 10240
CHUNKS = EPT // K
HALF = CHUNKS // 2
E_PAD = NW * EPT

_mesh = plsc.VectorSubcoreMesh(core_axis_name="c", subcore_axis_name="s")


def _deg_body(src_hbm, zeros_hbm, ones_hbm, deg_out,
              src_v, src_v2, ones_v, acc, dsem):
    c = lax.axis_index("c")
    s = lax.axis_index("s")
    w = c * NS + s
    zcp = pltpu.make_async_copy(zeros_hbm, acc.at[pl.ds(s * RPT, RPT)], dsem)
    zcp.start()
    pltpu.sync_copy(ones_hbm, ones_v)
    pltpu.sync_copy(src_hbm.at[w, pl.ds(0, CHUNKS // 2)], src_v)
    zcp.wait()
    plsc.subcore_barrier()

    def body(idx_v):
        def _b(j, carry):
            pltpu.async_copy(ones_v, acc.at[idx_v.at[j]], dsem, add=True)
            return carry
        return _b

    def drain(j, carry):
        pltpu.make_async_copy(ones_v, acc.at[src_v.at[0]], dsem).wait()
        return carry

    lax.fori_loop(0, CHUNKS // 2, body(src_v), 0)
    pltpu.sync_copy(src_hbm.at[w, pl.ds(CHUNKS // 2, CHUNKS // 2)], src_v2)
    lax.fori_loop(0, CHUNKS // 2, body(src_v2), 0)
    lax.fori_loop(0, CHUNKS, drain, 0)
    plsc.subcore_barrier()
    pltpu.sync_copy(acc.at[pl.ds(s * RPT, RPT)],
                    deg_out.at[c, pl.ds(s * RPT, RPT)])


_deg_kernel = functools.partial(
    pl.kernel,
    out_type=jax.ShapeDtypeStruct((NC, N_PAD), jnp.float32),
    mesh=_mesh,
    scratch_types=[
        pltpu.VMEM((CHUNKS // 2, K), jnp.int32),
        pltpu.VMEM((CHUNKS // 2, K), jnp.int32),
        pltpu.VMEM((K,), jnp.float32),
        pltpu.VMEM_SHARED((N_PAD,), jnp.float32),
        pltpu.SemaphoreType.DMA,
    ],
)(_deg_body)


def _agg_body(src_hbm, dst_hbm, xn_hbm, zeros_hbm, part_out,
              src_v, dst_v, rows_a, rows_b, acc, sem_a, sem_b):
    c = lax.axis_index("c")
    s = lax.axis_index("s")
    w = c * NS + s
    zcp = pltpu.make_async_copy(zeros_hbm, acc.at[pl.ds(s * RPT, RPT)], sem_a)
    zcp.start()
    pltpu.sync_copy(src_hbm.at[w, pl.ds(0, HALF)], src_v)
    pltpu.sync_copy(dst_hbm.at[w, pl.ds(0, HALF)], dst_v)
    zcp.wait()
    plsc.subcore_barrier()

    def process_half(h):
        if h:
            pltpu.sync_copy(src_hbm.at[w, pl.ds(h * HALF, HALF)], src_v)
            pltpu.sync_copy(dst_hbm.at[w, pl.ds(h * HALF, HALF)], dst_v)
        pltpu.async_copy(xn_hbm.at[src_v.at[0]], rows_a, sem_a)
        pltpu.async_copy(xn_hbm.at[src_v.at[1]], rows_b, sem_b)

        def body(t, carry):
            ja = 2 * t
            jb = 2 * t + 1
            pltpu.make_async_copy(xn_hbm.at[src_v.at[ja]], rows_a, sem_a).wait()
            pltpu.sync_copy(rows_a, acc.at[dst_v.at[ja]], add=True)
            pltpu.async_copy(xn_hbm.at[src_v.at[ja + 2]], rows_a, sem_a)
            pltpu.make_async_copy(xn_hbm.at[src_v.at[jb]], rows_b, sem_b).wait()
            pltpu.sync_copy(rows_b, acc.at[dst_v.at[jb]], add=True)
            pltpu.async_copy(xn_hbm.at[src_v.at[jb + 2]], rows_b, sem_b)
            return carry

        lax.fori_loop(0, HALF // 2 - 1, body, 0)
        ja = HALF - 2
        pltpu.make_async_copy(xn_hbm.at[src_v.at[ja]], rows_a, sem_a).wait()
        pltpu.sync_copy(rows_a, acc.at[dst_v.at[ja]], add=True)
        pltpu.make_async_copy(xn_hbm.at[src_v.at[ja + 1]], rows_b, sem_b).wait()
        pltpu.sync_copy(rows_b, acc.at[dst_v.at[ja + 1]], add=True)

    process_half(0)
    process_half(1)
    plsc.subcore_barrier()
    pltpu.sync_copy(acc.at[pl.ds(s * RPT, RPT)],
                    part_out.at[c, pl.ds(s * RPT, RPT)])


_agg_kernel = functools.partial(
    pl.kernel,
    out_type=jax.ShapeDtypeStruct((NC, N_PAD, DIM), jnp.float32),
    mesh=_mesh,
    scratch_types=[
        pltpu.VMEM((HALF, K), jnp.int32),
        pltpu.VMEM((HALF, K), jnp.int32),
        pltpu.VMEM((K, DIM), jnp.float32),
        pltpu.VMEM((K, DIM), jnp.float32),
        pltpu.VMEM_SHARED((N_PAD, DIM), jnp.float32),
        pltpu.SemaphoreType.DMA,
        pltpu.SemaphoreType.DMA,
    ],
)(_agg_body)


BN = 1000


def _scale_body(deg_ref, x_ref, xn_ref):
    d = deg_ref[0] + deg_ref[1]
    norm = lax.rsqrt(jnp.maximum(d, 1.0))
    xn_ref[...] = x_ref[...] * norm


def _out_body(part_ref, deg_ref, w1_ref, b1_ref, w2_ref, b2_ref, out_ref):
    p = part_ref[0] + part_ref[1]
    d = deg_ref[0] + deg_ref[1]
    norm = lax.rsqrt(jnp.maximum(d, 1.0))
    h = p * norm
    h = jnp.dot(h, w1_ref[...], preferred_element_type=jnp.float32)
    h = jnp.maximum(h + b1_ref[...], 0.0)
    out_ref[...] = (jnp.dot(h, w2_ref[...], preferred_element_type=jnp.float32)
                    + b2_ref[...])


def kernel(x, edge_index, W1, b1, W2, b2):
    src = edge_index[0]
    dst = edge_index[1]
    pad = E_PAD - E_EDGES
    pad_hi = (N_NODES + jnp.arange(pad, dtype=jnp.int32)
              % (N_PAD - N_NODES)).astype(jnp.int32)
    pad_lo = (jnp.arange(pad, dtype=jnp.int32) % N_NODES).astype(jnp.int32)
    src_deg = jnp.concatenate([src, pad_hi]).reshape(NW, CHUNKS, K)
    src_gat = jnp.concatenate([src, pad_lo]).reshape(NW, CHUNKS, K)
    dst_sc = jnp.concatenate([dst, pad_hi]).reshape(NW, CHUNKS, K)

    zeros_1d = jnp.zeros((RPT,), jnp.float32)
    ones_k = jnp.ones((K,), jnp.float32)
    zeros_2d = jnp.zeros((RPT, DIM), jnp.float32)

    deg_parts = _deg_kernel(src_deg, zeros_1d, ones_k)
    deg3 = deg_parts.reshape(NC, N_PAD, 1)

    xn = pl.pallas_call(
        _scale_body,
        grid=(N_NODES // BN,),
        in_specs=[
            pl.BlockSpec((NC, BN, 1), lambda i: (0, i, 0)),
            pl.BlockSpec((BN, DIM), lambda i: (i, 0)),
        ],
        out_specs=pl.BlockSpec((BN, DIM), lambda i: (i, 0)),
        out_shape=jax.ShapeDtypeStruct((N_NODES, DIM), jnp.float32),
    )(deg3, x)

    parts = _agg_kernel(src_gat, dst_sc, xn, zeros_2d)

    out = pl.pallas_call(
        _out_body,
        grid=(N_NODES // BN,),
        in_specs=[
            pl.BlockSpec((NC, BN, DIM), lambda i: (0, i, 0)),
            pl.BlockSpec((NC, BN, 1), lambda i: (0, i, 0)),
            pl.BlockSpec((DIM, DIM), lambda i: (0, 0)),
            pl.BlockSpec((DIM,), lambda i: (0,)),
            pl.BlockSpec((DIM, DIM), lambda i: (0, 0)),
            pl.BlockSpec((DIM,), lambda i: (0,)),
        ],
        out_specs=pl.BlockSpec((BN, DIM), lambda i: (i, 0)),
        out_shape=jax.ShapeDtypeStruct((N_NODES, DIM), jnp.float32),
    )(parts, deg3, W1, b1, W2, b2)
    return out

# --- scband reference (transcript-rebuilt; emitter-appended) ---
"""Pipeline reference for scband-gcn-15925738734178 (READ-ONLY COPY).

The authoritative reference and input builder live on the scoring server;
editing this copy changes nothing except your own understanding.
"""

import jax, jax.numpy as jnp
import numpy as np

N, E, D = 10000, 320000, 128

def setup_inputs(seed: int = 0) -> dict:
    key = jax.random.key(seed)
    k1, k2, k3, k4, k5, k6 = jax.random.split(key, 6)
    x = jax.random.normal(k1, (N, D), dtype=jnp.float32)
    edge_index = jax.random.randint(k2, (2, E), 0, N, dtype=jnp.int32)
    W1 = jax.random.normal(k3, (D, D), dtype=jnp.float32) * 0.05
    b1 = jnp.zeros((D,), dtype=jnp.float32)
    W2 = jax.random.normal(k4, (D, D), dtype=jnp.float32) * 0.05
    b2 = jnp.zeros((D,), dtype=jnp.float32)
    return {"x": x, "edge_index": edge_index, "W1": W1, "b1": b1, "W2": W2, "b2": b2}

def reference(x, edge_index, W1, b1, W2, b2):
    # GCN with num_hops=2: one symmetric-normalized message-passing layer + output linear.
    src = edge_index[0]
    dst = edge_index[1]
    n = x.shape[0]
    # out_degrees().float().clamp(min=1)
    degs = jnp.zeros((n,), dtype=x.dtype).at[src].add(1.0)
    degs = jnp.clip(degs, 1.0, None)
    norm = jnp.power(degs, -0.5)[:, None]
    h = x
    # hidden layer (linears[:-1])
    h = h * norm
    # update_all(copy_u('h','m'), sum('m','h')): scatter-add messages src->dst
    h = jnp.zeros_like(h).at[dst].add(h[src])
    h = h * norm
    h = jax.nn.relu(h @ W1.T + b1) if False else jax.nn.relu(h @ W1 + b1)
    # final linear (linears[-1])
    out = h @ W2 + b2
    return out

if __name__ == "__main__":
    import jax
    _d = setup_inputs()
    print(jax.jit(kernel)(*tuple(_d.values())))

</pallas_src>

<mosaic_0001>
#map = affine_map<(d0, d1) -> (0, 0, 0)>
#map1 = affine_map<(d0, d1) -> (0)>
#map2 = affine_map<(d0, d1) -> (0, 0)>
module attributes {stable_mosaic.version = 14 : i64} {
  func.func @_deg_body(%arg0: i32, %arg1: i32, %arg2: memref<32x80x128xi32, #tpu.memory_space<hbm>>, %arg3: memref<640xf32, #tpu.memory_space<hbm>>, %arg4: memref<128xf32, #tpu.memory_space<hbm>>, %arg5: memref<2x10240xf32, #tpu.memory_space<hbm>>, %arg6: memref<40x128xi32, #tpu.memory_space<vmem>>, %arg7: memref<40x128xi32, #tpu.memory_space<vmem>>, %arg8: memref<128xf32, #tpu.memory_space<vmem>>, %arg9: memref<10240xf32, #tpu.memory_space<vmem_shared>>, %arg10: memref<!tpu.dma_semaphore, #tpu.memory_space<semaphore_mem>>) attributes {dimension_semantics = [#tpu.dimension_semantics<core_parallel>, #tpu.dimension_semantics<subcore_parallel>], iteration_bounds = array<i64: 2, 16>, scalar_prefetch = 0 : i64, scratch_operands = 5 : i64, tpu.core_type = #tpu.core_type<sc_vector_subcore>, window_params = [{transform_indices = #map}, {transform_indices = #map1}, {transform_indices = #map1}, {transform_indices = #map2}]} {
    %mul3A = arith.constant 16 : i32
    %mul3A_0 = arith.muli %arg0, %mul3A : i32
    %add3A = arith.addi %mul3A_0, %arg1 : i32
    %mul3A_1 = arith.constant 640 : i32
    %mul3A_2 = arith.muli %arg1, %mul3A_1 : i32
    %dma_start3A = tpu.memref_slice %arg9[%mul3A_2] : memref<10240xf32, #tpu.memory_space<vmem_shared>> -> memref<640xf32, #tpu.memory_space<vmem_shared>>
    tpu.enqueue_dma source(%arg3 : memref<640xf32, #tpu.memory_space<hbm>>) target(%dma_start3A : memref<640xf32, #tpu.memory_space<vmem_shared>>) target_semaphore(%arg10 : memref<!tpu.dma_semaphore, #tpu.memory_space<semaphore_mem>>)
    "tpu.region"() ({
      %run_scoped3A = tpu.sem_alloc : memref<!tpu.dma_semaphore, #tpu.memory_space<semaphore_mem>>
      tpu.enqueue_dma source(%arg4 : memref<128xf32, #tpu.memory_space<hbm>>) target(%arg8 : memref<128xf32, #tpu.memory_space<vmem>>) target_semaphore(%run_scoped3A : memref<!tpu.dma_semaphore, #tpu.memory_space<semaphore_mem>>)
      tpu.wait_dma2 semaphore(%run_scoped3A : memref<!tpu.dma_semaphore, #tpu.memory_space<semaphore_mem>>) src(%arg4 : memref<128xf32, #tpu.memory_space<hbm>>) dst(%arg8 : memref<128xf32, #tpu.memory_space<vmem>>)
      tpu.yield
    }) : () -> ()
    "tpu.region"() ({
      %run_scoped3A = tpu.sem_alloc : memref<!tpu.dma_semaphore, #tpu.memory_space<semaphore_mem>>
      %dma_start3A_25 = arith.constant 0 : i32
      %dma_start3A_26 = arith.constant 0 : i32
      %dma_start3A_27 = tpu.memref_slice %arg2[%add3A, %dma_start3A_25, %dma_start3A_26] : memref<32x80x128xi32, #tpu.memory_space<hbm>> -> memref<1x40x128xi32, #tpu.memory_space<hbm>>
      %dma_start3A_28 = tpu.memref_squeeze %dma_start3A_27 : memref<1x40x128xi32, #tpu.memory_space<hbm>> -> memref<40x128xi32, #tpu.memory_space<hbm>>
      %dma_start3A_29 = arith.constant 0 : i32
      %dma_start3A_30 = arith.constant 0 : i32
      %dma_start3A_31 = tpu.memref_slice %arg2[%add3A, %dma_start3A_29, %dma_start3A_30] : memref<32x80x128xi32, #tpu.memory_space<hbm>> -> memref<1x40x128xi32, #tpu.memory_space<hbm>>
      %dma_start3A_32 = tpu.memref_squeeze %dma_start3A_31 : memref<1x40x128xi32, #tpu.memory_space<hbm>> -> memref<40x128xi32, #tpu.memory_space<hbm>>
      tpu.enqueue_dma source(%dma_start3A_32 : memref<40x128xi32, #tpu.memory_space<hbm>>) target(%arg6 : memref<40x128xi32, #tpu.memory_space<vmem>>) target_semaphore(%run_scoped3A : memref<!tpu.dma_semaphore, #tpu.memory_space<semaphore_mem>>)
      %dma_wait3A_33 = arith.constant 0 : i32
      %dma_wait3A_34 = arith.constant 0 : i32
      %dma_wait3A_35 = tpu.memref_slice %arg2[%add3A, %dma_wait3A_33, %dma_wait3A_34] : memref<32x80x128xi32, #tpu.memory_space<hbm>> -> memref<1x40x128xi32, #tpu.memory_space<hbm>>
      %dma_wait3A_36 = tpu.memref_squeeze %dma_wait3A_35 : memref<1x40x128xi32, #tpu.memory_space<hbm>> -> memref<40x128xi32, #tpu.memory_space<hbm>>
      %dma_wait3A_37 = arith.constant 0 : i32
      %dma_wait3A_38 = arith.constant 0 : i32
      %dma_wait3A_39 = tpu.memref_slice %arg2[%add3A, %dma_wait3A_37, %dma_wait3A_38] : memref<32x80x128xi32, #tpu.memory_space<hbm>> -> memref<1x40x128xi32, #tpu.memory_space<hbm>>
      %dma_wait3A_40 = tpu.memref_squeeze %dma_wait3A_39 : memref<1x40x128xi32, #tpu.memory_space<hbm>> -> memref<40x128xi32, #tpu.memory_space<hbm>>
      tpu.wait_dma2 semaphore(%run_scoped3A : memref<!tpu.dma_semaphore, #tpu.memory_space<semaphore_mem>>) src(%dma_wait3A_40 : memref<40x128xi32, #tpu.memory_space<hbm>>) dst(%arg6 : memref<40x128xi32, #tpu.memory_space<vmem>>)
      tpu.yield
    }) : () -> ()
    %dma_wait3A = tpu.memref_slice %arg9[%mul3A_2] : memref<10240xf32, #tpu.memory_space<vmem_shared>> -> memref<640xf32, #tpu.memory_space<vmem_shared>>
    tpu.wait_dma2 semaphore(%arg10 : memref<!tpu.dma_semaphore, #tpu.memory_space<semaphore_mem>>) src(%arg3 : memref<640xf32, #tpu.memory_space<hbm>>) dst(%dma_wait3A : memref<640xf32, #tpu.memory_space<vmem_shared>>)
    %barrier3A = arith.constant 0 : index
    tpu.barrier barrier_id(%barrier3A)
    %scan3A = arith.constant 0 : i32
    %scan3A_3 = arith.constant 0 : i32
    %scan3A_4 = arith.constant 40 : i32
    %scan3A_5 = arith.addi %scan3A_3, %scan3A_4 : i32
    %scan3A_6 = arith.constant 1 : i32
    scf.for %scan3A_25 = %scan3A_3 to %scan3A_5 step %scan3A_6  : i32 {
      %dma_start3A_26 = arith.constant 0 : i32
      %dma_start3A_27 = tpu.memref_slice %arg6[%scan3A_25, %dma_start3A_26] : memref<40x128xi32, #tpu.memory_space<vmem>> -> memref<1x128xi32, #tpu.memory_space<vmem>>
      %dma_start3A_28 = tpu.memref_squeeze %dma_start3A_27 : memref<1x128xi32, #tpu.memory_space<vmem>> -> memref<128xi32, #tpu.memory_space<vmem>>
      %dma_start3A_29 = arith.constant 0 : i32
      %dma_start3A_30 = tpu.memref_slice %arg9[%dma_start3A_29] : memref<10240xf32, #tpu.memory_space<vmem_shared>> -> memref<10240xf32, #tpu.memory_space<vmem_shared>>
      tpu.enqueue_indirect_dma source(%arg8 : memref<128xf32, #tpu.memory_space<vmem>>) target(%dma_start3A_30 : memref<10240xf32, #tpu.memory_space<vmem_shared>>) offsets(%dma_start3A_28 : memref<128xi32, #tpu.memory_space<vmem>>) semaphore(%arg10 : memref<!tpu.dma_semaphore, #tpu.memory_space<semaphore_mem>>) {add = true}
    }
    %scan3A_7 = arith.constant 40 : i32
    "tpu.region"() ({
      %run_scoped3A = tpu.sem_alloc : memref<!tpu.dma_semaphore, #tpu.memory_space<semaphore_mem>>
      %dma_start3A_25 = arith.constant 40 : i32
      %dma_start3A_26 = arith.constant 0 : i32
      %dma_start3A_27 = tpu.memref_slice %arg2[%add3A, %dma_start3A_25, %dma_start3A_26] : memref<32x80x128xi32, #tpu.memory_space<hbm>> -> memref<1x40x128xi32, #tpu.memory_space<hbm>>
      %dma_start3A_28 = tpu.memref_squeeze %dma_start3A_27 : memref<1x40x128xi32, #tpu.memory_space<hbm>> -> memref<40x128xi32, #tpu.memory_space<hbm>>
      %dma_start3A_29 = arith.constant 40 : i32
      %dma_start3A_30 = arith.constant 0 : i32
      %dma_start3A_31 = tpu.memref_slice %arg2[%add3A, %dma_start3A_29, %dma_start3A_30] : memref<32x80x128xi32, #tpu.memory_space<hbm>> -> memref<1x40x128xi32, #tpu.memory_space<hbm>>
      %dma_start3A_32 = tpu.memref_squeeze %dma_start3A_31 : memref<1x40x128xi32, #tpu.memory_space<hbm>> -> memref<40x128xi32, #tpu.memory_space<hbm>>
      tpu.enqueue_dma source(%dma_start3A_32 : memref<40x128xi32, #tpu.memory_space<hbm>>) target(%arg7 : memref<40x128xi32, #tpu.memory_space<vmem>>) target_semaphore(%run_scoped3A : memref<!tpu.dma_semaphore, #tpu.memory_space<semaphore_mem>>)
      %dma_wait3A_33 = arith.constant 40 : i32
      %dma_wait3A_34 = arith.constant 0 : i32
      %dma_wait3A_35 = tpu.memref_slice %arg2[%add3A, %dma_wait3A_33, %dma_wait3A_34] : memref<32x80x128xi32, #tpu.memory_space<hbm>> -> memref<1x40x128xi32, #tpu.memory_space<hbm>>
      %dma_wait3A_36 = tpu.memref_squeeze %dma_wait3A_35 : memref<1x40x128xi32, #tpu.memory_space<hbm>> -> memref<40x128xi32, #tpu.memory_space<hbm>>
      %dma_wait3A_37 = arith.constant 40 : i32
      %dma_wait3A_38 = arith.constant 0 : i32
      %dma_wait3A_39 = tpu.memref_slice %arg2[%add3A, %dma_wait3A_37, %dma_wait3A_38] : memref<32x80x128xi32, #tpu.memory_space<hbm>> -> memref<1x40x128xi32, #tpu.memory_space<hbm>>
      %dma_wait3A_40 = tpu.memref_squeeze %dma_wait3A_39 : memref<1x40x128xi32, #tpu.memory_space<hbm>> -> memref<40x128xi32, #tpu.memory_space<hbm>>
      tpu.wait_dma2 semaphore(%run_scoped3A : memref<!tpu.dma_semaphore, #tpu.memory_space<semaphore_mem>>) src(%dma_wait3A_40 : memref<40x128xi32, #tpu.memory_space<hbm>>) dst(%arg7 : memref<40x128xi32, #tpu.memory_space<vmem>>)
      tpu.yield
    }) : () -> ()
    %scan3A_8 = arith.constant 0 : i32
    %scan3A_9 = arith.constant 0 : i32
    %scan3A_10 = arith.constant 40 : i32
    %scan3A_11 = arith.addi %scan3A_9, %scan3A_10 : i32
    %scan3A_12 = arith.constant 1 : i32
    scf.for %scan3A_25 = %scan3A_9 to %scan3A_11 step %scan3A_12  : i32 {
      %dma_start3A_26 = arith.constant 0 : i32
      %dma_start3A_27 = tpu.memref_slice %arg7[%scan3A_25, %dma_start3A_26] : memref<40x128xi32, #tpu.memory_space<vmem>> -> memref<1x128xi32, #tpu.memory_space<vmem>>
      %dma_start3A_28 = tpu.memref_squeeze %dma_start3A_27 : memref<1x128xi32, #tpu.memory_space<vmem>> -> memref<128xi32, #tpu.memory_space<vmem>>
      %dma_start3A_29 = arith.constant 0 : i32
      %dma_start3A_30 = tpu.memref_slice %arg9[%dma_start3A_29] : memref<10240xf32, #tpu.memory_space<vmem_shared>> -> memref<10240xf32, #tpu.memory_space<vmem_shared>>
      tpu.enqueue_indirect_dma source(%arg8 : memref<128xf32, #tpu.memory_space<vmem>>) target(%dma_start3A_30 : memref<10240xf32, #tpu.memory_space<vmem_shared>>) offsets(%dma_start3A_28 : memref<128xi32, #tpu.memory_space<vmem>>) semaphore(%arg10 : memref<!tpu.dma_semaphore, #tpu.memory_space<semaphore_mem>>) {add = true}
    }
    %scan3A_13 = arith.constant 40 : i32
    %scan3A_14 = arith.constant 0 : i32
    %scan3A_15 = arith.constant 0 : i32
    %scan3A_16 = arith.constant 80 : i32
    %scan3A_17 = arith.addi %scan3A_15, %scan3A_16 : i32
    %scan3A_18 = arith.constant 1 : i32
    scf.for %scan3A_25 = %scan3A_15 to %scan3A_17 step %scan3A_18  : i32 {
      %dma_wait3A_26 = arith.constant 0 : i32
      %dma_wait3A_27 = arith.constant 0 : i32
      %dma_wait3A_28 = tpu.memref_slice %arg6[%dma_wait3A_26, %dma_wait3A_27] : memref<40x128xi32, #tpu.memory_space<vmem>> -> memref<1x128xi32, #tpu.memory_space<vmem>>
      %dma_wait3A_29 = tpu.memref_squeeze %dma_wait3A_28 : memref<1x128xi32, #tpu.memory_space<vmem>> -> memref<128xi32, #tpu.memory_space<vmem>>
      %dma_wait3A_30 = arith.constant 0 : i32
      %dma_wait3A_31 = tpu.memref_slice %arg9[%dma_wait3A_30] : memref<10240xf32, #tpu.memory_space<vmem_shared>> -> memref<10240xf32, #tpu.memory_space<vmem_shared>>
      tpu.wait_indirect_dma semaphore(%arg10 : memref<!tpu.dma_semaphore, #tpu.memory_space<semaphore_mem>>) src(%arg8 : memref<128xf32, #tpu.memory_space<vmem>>) dst(%dma_wait3A_31 : memref<10240xf32, #tpu.memory_space<vmem_shared>>)
    }
    %scan3A_19 = arith.constant 80 : i32
    %barrier3A_20 = arith.constant 0 : index
    tpu.barrier barrier_id(%barrier3A_20)
    %mul3A_21 = arith.constant 640 : i32
    %mul3A_22 = arith.muli %arg1, %mul3A_21 : i32
    %mul3A_23 = arith.constant 640 : i32
    %mul3A_24 = arith.muli %arg1, %mul3A_23 : i32
    "tpu.region"() ({
      %run_scoped3A = tpu.sem_alloc : memref<!tpu.dma_semaphore, #tpu.memory_space<semaphore_mem>>
      %dma_start3A_25 = tpu.memref_slice %arg5[%arg0, %mul3A_24] : memref<2x10240xf32, #tpu.memory_space<hbm>> -> memref<1x640xf32, #tpu.memory_space<hbm>>
      %dma_start3A_26 = tpu.memref_squeeze %dma_start3A_25 : memref<1x640xf32, #tpu.memory_space<hbm>> -> memref<640xf32, #tpu.memory_space<hbm>>
      %dma_start3A_27 = tpu.memref_slice %arg9[%mul3A_22] : memref<10240xf32, #tpu.memory_space<vmem_shared>> -> memref<640xf32, #tpu.memory_space<vmem_shared>>
      tpu.enqueue_dma source(%dma_start3A_27 : memref<640xf32, #tpu.memory_space<vmem_shared>>) target(%dma_start3A_26 : memref<640xf32, #tpu.memory_space<hbm>>) target_semaphore(%run_scoped3A : memref<!tpu.dma_semaphore, #tpu.memory_space<semaphore_mem>>)
      %dma_wait3A_28 = tpu.memref_slice %arg5[%arg0, %mul3A_24] : memref<2x10240xf32, #tpu.memory_space<hbm>> -> memref<1x640xf32, #tpu.memory_space<hbm>>
      %dma_wait3A_29 = tpu.memref_squeeze %dma_wait3A_28 : memref<1x640xf32, #tpu.memory_space<hbm>> -> memref<640xf32, #tpu.memory_space<hbm>>
      %dma_wait3A_30 = tpu.memref_slice %arg9[%mul3A_22] : memref<10240xf32, #tpu.memory_space<vmem_shared>> -> memref<640xf32, #tpu.memory_space<vmem_shared>>
      tpu.wait_dma2 semaphore(%run_scoped3A : memref<!tpu.dma_semaphore, #tpu.memory_space<semaphore_mem>>) src(%dma_wait3A_30 : memref<640xf32, #tpu.memory_space<vmem_shared>>) dst(%dma_wait3A_29 : memref<640xf32, #tpu.memory_space<hbm>>)
      tpu.yield
    }) : () -> ()
    return
  }
}

#map = affine_map<(d0, d1) -> (0, 0, 0)>
#map1 = affine_map<(d0, d1) -> (0, 0)>
module attributes {stable_mosaic.version = 14 : i64} {
  func.func @_agg_body(%arg0: i32, %arg1: i32, %arg2: memref<32x80x128xi32, #tpu.memory_space<hbm>>, %arg3: memref<32x80x128xi32, #tpu.memory_space<hbm>>, %arg4: memref<10000x128xf32, #tpu.memory_space<hbm>>, %arg5: memref<640x128xf32, #tpu.memory_space<hbm>>, %arg6: memref<2x10240x128xf32, #tpu.memory_space<hbm>>, %arg7: memref<40x128xi32, #tpu.memory_space<vmem>>, %arg8: memref<40x128xi32, #tpu.memory_space<vmem>>, %arg9: memref<128x128xf32, #tpu.memory_space<vmem>>, %arg10: memref<128x128xf32, #tpu.memory_space<vmem>>, %arg11: memref<10240x128xf32, #tpu.memory_space<vmem_shared>>, %arg12: memref<!tpu.dma_semaphore, #tpu.memory_space<semaphore_mem>>, %arg13: memref<!tpu.dma_semaphore, #tpu.memory_space<semaphore_mem>>) attributes {dimension_semantics = [#tpu.dimension_semantics<core_parallel>, #tpu.dimension_semantics<subcore_parallel>], iteration_bounds = array<i64: 2, 16>, scalar_prefetch = 0 : i64, scratch_operands = 7 : i64, tpu.core_type = #tpu.core_type<sc_vector_subcore>, window_params = [{transform_indices = #map}, {transform_indices = #map}, {transform_indices = #map1}, {transform_indices = #map1}, {transform_indices = #map}]} {
    %mul3A = arith.constant 16 : i32
    %mul3A_0 = arith.muli %arg0, %mul3A : i32
    %add3A = arith.addi %mul3A_0, %arg1 : i32
    %mul3A_1 = arith.constant 640 : i32
    %mul3A_2 = arith.muli %arg1, %mul3A_1 : i32
    %dma_start3A = arith.constant 0 : i32
    %dma_start3A_3 = tpu.memref_slice %arg11[%mul3A_2, %dma_start3A] : memref<10240x128xf32, #tpu.memory_space<vmem_shared>> -> memref<640x128xf32, #tpu.memory_space<vmem_shared>>
    tpu.enqueue_dma source(%arg5 : memref<640x128xf32, #tpu.memory_space<hbm>>) target(%dma_start3A_3 : memref<640x128xf32, #tpu.memory_space<vmem_shared>>) target_semaphore(%arg12 : memref<!tpu.dma_semaphore, #tpu.memory_space<semaphore_mem>>)
    "tpu.region"() ({
      %run_scoped3A_80 = tpu.sem_alloc : memref<!tpu.dma_semaphore, #tpu.memory_space<semaphore_mem>>
      %dma_start3A_81 = arith.constant 0 : i32
      %dma_start3A_82 = arith.constant 0 : i32
      %dma_start3A_83 = tpu.memref_slice %arg2[%add3A, %dma_start3A_81, %dma_start3A_82] : memref<32x80x128xi32, #tpu.memory_space<hbm>> -> memref<1x40x128xi32, #tpu.memory_space<hbm>>
      %dma_start3A_84 = tpu.memref_squeeze %dma_start3A_83 : memref<1x40x128xi32, #tpu.memory_space<hbm>> -> memref<40x128xi32, #tpu.memory_space<hbm>>
      %dma_start3A_85 = arith.constant 0 : i32
      %dma_start3A_86 = arith.constant 0 : i32
      %dma_start3A_87 = tpu.memref_slice %arg2[%add3A, %dma_start3A_85, %dma_start3A_86] : memref<32x80x128xi32, #tpu.memory_space<hbm>> -> memref<1x40x128xi32, #tpu.memory_space<hbm>>
      %dma_start3A_88 = tpu.memref_squeeze %dma_start3A_87 : memref<1x40x128xi32, #tpu.memory_space<hbm>> -> memref<40x128xi32, #tpu.memory_space<hbm>>
      tpu.enqueue_dma source(%dma_start3A_88 : memref<40x128xi32, #tpu.memory_space<hbm>>) target(%arg7 : memref<40x128xi32, #tpu.memory_space<vmem>>) target_semaphore(%run_scoped3A_80 : memref<!tpu.dma_semaphore, #tpu.memory_space<semaphore_mem>>)
      %dma_wait3A_89 = arith.constant 0 : i32
      %dma_wait3A_90 = arith.constant 0 : i32
      %dma_wait3A_91 = tpu.memref_slice %arg2[%add3A, %dma_wait3A_89, %dma_wait3A_90] : memref<32x80x128xi32, #tpu.memory_space<hbm>> -> memref<1x40x128xi32, #tpu.memory_space<hbm>>
      %dma_wait3A_92 = tpu.memref_squeeze %dma_wait3A_91 : memref<1x40x128xi32, #tpu.memory_space<hbm>> -> memref<40x128xi32, #tpu.memory_space<hbm>>
      %dma_wait3A_93 = arith.constant 0 : i32
      %dma_wait3A_94 = arith.constant 0 : i32
      %dma_wait3A_95 = tpu.memref_slice %arg2[%add3A, %dma_wait3A_93, %dma_wait3A_94] : memref<32x80x128xi32, #tpu.memory_space<hbm>> -> memref<1x40x128xi32, #tpu.memory_space<hbm>>
      %dma_wait3A_96 = tpu.memref_squeeze %dma_wait3A_95 : memref<1x40x128xi32, #tpu.memory_space<hbm>> -> memref<40x128xi32, #tpu.memory_space<hbm>>
      tpu.wait_dma2 semaphore(%run_scoped3A_80 : memref<!tpu.dma_semaphore, #tpu.memory_space<semaphore_mem>>) src(%dma_wait3A_96 : memref<40x128xi32, #tpu.memory_space<hbm>>) dst(%arg7 : memref<40x128xi32, #tpu.memory_space<vmem>>)
      tpu.yield
    }) : () -> ()
    "tpu.region"() ({
      %run_scoped3A_80 = tpu.sem_alloc : memref<!tpu.dma_semaphore, #tpu.memory_space<semaphore_mem>>
      %dma_start3A_81 = arith.constant 0 : i32
      %dma_start3A_82 = arith.constant 0 : i32
      %dma_start3A_83 = tpu.memref_slice %arg3[%add3A, %dma_start3A_81, %dma_start3A_82] : memref<32x80x128xi32, #tpu.memory_space<hbm>> -> memref<1x40x128xi32, #tpu.memory_space<hbm>>
      %dma_start3A_84 = tpu.memref_squeeze %dma_start3A_83 : memref<1x40x128xi32, #tpu.memory_space<hbm>> -> memref<40x128xi32, #tpu.memory_space<hbm>>
      %dma_start3A_85 = arith.constant 0 : i32
      %dma_start3A_86 = arith.constant 0 : i32
      %dma_start3A_87 = tpu.memref_slice %arg3[%add3A, %dma_start3A_85, %dma_start3A_86] : memref<32x80x128xi32, #tpu.memory_space<hbm>> -> memref<1x40x128xi32, #tpu.memory_space<hbm>>
      %dma_start3A_88 = tpu.memref_squeeze %dma_start3A_87 : memref<1x40x128xi32, #tpu.memory_space<hbm>> -> memref<40x128xi32, #tpu.memory_space<hbm>>
      tpu.enqueue_dma source(%dma_start3A_88 : memref<40x128xi32, #tpu.memory_space<hbm>>) target(%arg8 : memref<40x128xi32, #tpu.memory_space<vmem>>) target_semaphore(%run_scoped3A_80 : memref<!tpu.dma_semaphore, #tpu.memory_space<semaphore_mem>>)
      %dma_wait3A_89 = arith.constant 0 : i32
      %dma_wait3A_90 = arith.constant 0 : i32
      %dma_wait3A_91 = tpu.memref_slice %arg3[%add3A, %dma_wait3A_89, %dma_wait3A_90] : memref<32x80x128xi32, #tpu.memory_space<hbm>> -> memref<1x40x128xi32, #tpu.memory_space<hbm>>
      %dma_wait3A_92 = tpu.memref_squeeze %dma_wait3A_91 : memref<1x40x128xi32, #tpu.memory_space<hbm>> -> memref<40x128xi32, #tpu.memory_space<hbm>>
      %dma_wait3A_93 = arith.constant 0 : i32
      %dma_wait3A_94 = arith.constant 0 : i32
      %dma_wait3A_95 = tpu.memref_slice %arg3[%add3A, %dma_wait3A_93, %dma_wait3A_94] : memref<32x80x128xi32, #tpu.memory_space<hbm>> -> memref<1x40x128xi32, #tpu.memory_space<hbm>>
      %dma_wait3A_96 = tpu.memref_squeeze %dma_wait3A_95 : memref<1x40x128xi32, #tpu.memory_space<hbm>> -> memref<40x128xi32, #tpu.memory_space<hbm>>
      tpu.wait_dma2 semaphore(%run_scoped3A_80 : memref<!tpu.dma_semaphore, #tpu.memory_space<semaphore_mem>>) src(%dma_wait3A_96 : memref<40x128xi32, #tpu.memory_space<hbm>>) dst(%arg8 : memref<40x128xi32, #tpu.memory_space<vmem>>)
      tpu.yield
    }) : () -> ()
    %dma_wait3A = arith.constant 0 : i32
    %dma_wait3A_4 = tpu.memref_slice %arg11[%mul3A_2, %dma_wait3A] : memref<10240x128xf32, #tpu.memory_space<vmem_shared>> -> memref<640x128xf32, #tpu.memory_space<vmem_shared>>
    tpu.wait_dma2 semaphore(%arg12 : memref<!tpu.dma_semaphore, #tpu.memory_space<semaphore_mem>>) src(%arg5 : memref<640x128xf32, #tpu.memory_space<hbm>>) dst(%dma_wait3A_4 : memref<640x128xf32, #tpu.memory_space<vmem_shared>>)
    %barrier3A = arith.constant 0 : index
    tpu.barrier barrier_id(%barrier3A)
    %dma_start3A_5 = arith.constant 0 : i32
    %dma_start3A_6 = arith.constant 0 : i32
    %dma_start3A_7 = tpu.memref_slice %arg7[%dma_start3A_5, %dma_start3A_6] : memref<40x128xi32, #tpu.memory_space<vmem>> -> memref<1x128xi32, #tpu.memory_space<vmem>>
    %dma_start3A_8 = tpu.memref_squeeze %dma_start3A_7 : memref<1x128xi32, #tpu.memory_space<vmem>> -> memref<128xi32, #tpu.memory_space<vmem>>
    %dma_start3A_9 = arith.constant 0 : i32
    %dma_start3A_10 = arith.constant 0 : i32
    %dma_start3A_11 = tpu.memref_slice %arg4[%dma_start3A_9, %dma_start3A_10] : memref<10000x128xf32, #tpu.memory_space<hbm>> -> memref<10000x128xf32, #tpu.memory_space<hbm>>
    tpu.enqueue_indirect_dma source(%dma_start3A_11 : memref<10000x128xf32, #tpu.memory_space<hbm>>) target(%arg9 : memref<128x128xf32, #tpu.memory_space<vmem>>) offsets(%dma_start3A_8 : memref<128xi32, #tpu.memory_space<vmem>>) semaphore(%arg12 : memref<!tpu.dma_semaphore, #tpu.memory_space<semaphore_mem>>)
    %dma_start3A_12 = arith.constant 1 : i32
    %dma_start3A_13 = arith.constant 0 : i32
    %dma_start3A_14 = tpu.memref_slice %arg7[%dma_start3A_12, %dma_start3A_13] : memref<40x128xi32, #tpu.memory_space<vmem>> -> memref<1x128xi32, #tpu.memory_space<vmem>>
    %dma_start3A_15 = tpu.memref_squeeze %dma_start3A_14 : memref<1x128xi32, #tpu.memory_space<vmem>> -> memref<128xi32, #tpu.memory_space<vmem>>
    %dma_start3A_16 = arith.constant 0 : i32
    %dma_start3A_17 = arith.constant 0 : i32
    %dma_start3A_18 = tpu.memref_slice %arg4[%dma_start3A_16, %dma_start3A_17] : memref<10000x128xf32, #tpu.memory_space<hbm>> -> memref<10000x128xf32, #tpu.memory_space<hbm>>
    tpu.enqueue_indirect_dma source(%dma_start3A_18 : memref<10000x128xf32, #tpu.memory_space<hbm>>) target(%arg10 : memref<128x128xf32, #tpu.memory_space<vmem>>) offsets(%dma_start3A_15 : memref<128xi32, #tpu.memory_space<vmem>>) semaphore(%arg13 : memref<!tpu.dma_semaphore, #tpu.memory_space<semaphore_mem>>)
    %scan3A = arith.constant 0 : i32
    %scan3A_19 = arith.constant 0 : i32
    %scan3A_20 = arith.constant 19 : i32
    %scan3A_21 = arith.addi %scan3A_19, %scan3A_20 : i32
    %scan3A_22 = arith.constant 1 : i32
    scf.for %scan3A_80 = %scan3A_19 to %scan3A_21 step %scan3A_22  : i32 {
      %mul3A_81 = arith.constant 2 : i32
      %mul3A_82 = arith.muli %mul3A_81, %scan3A_80 : i32
      %mul3A_83 = arith.constant 2 : i32
      %mul3A_84 = arith.muli %mul3A_83, %scan3A_80 : i32
      %add3A_85 = arith.constant 1 : i32
      %add3A_86 = arith.addi %mul3A_84, %add3A_85 : i32
      %dma_wait3A_87 = arith.constant 0 : i32
      %dma_wait3A_88 = tpu.memref_slice %arg7[%mul3A_82, %dma_wait3A_87] : memref<40x128xi32, #tpu.memory_space<vmem>> -> memref<1x128xi32, #tpu.memory_space<vmem>>
      %dma_wait3A_89 = tpu.memref_squeeze %dma_wait3A_88 : memref<1x128xi32, #tpu.memory_space<vmem>> -> memref<128xi32, #tpu.memory_space<vmem>>
      %dma_wait3A_90 = arith.constant 0 : i32
      %dma_wait3A_91 = arith.constant 0 : i32
      %dma_wait3A_92 = tpu.memref_slice %arg4[%dma_wait3A_90, %dma_wait3A_91] : memref<10000x128xf32, #tpu.memory_space<hbm>> -> memref<10000x128xf32, #tpu.memory_space<hbm>>
      tpu.wait_indirect_dma semaphore(%arg12 : memref<!tpu.dma_semaphore, #tpu.memory_space<semaphore_mem>>) src(%dma_wait3A_92 : memref<10000x128xf32, #tpu.memory_space<hbm>>) dst(%arg9 : memref<128x128xf32, #tpu.memory_space<vmem>>)
      "tpu.region"() ({
        %run_scoped3A_115 = tpu.sem_alloc : memref<!tpu.dma_semaphore, #tpu.memory_space<semaphore_mem>>
        %dma_start3A_116 = arith.constant 0 : i32
        %dma_start3A_117 = tpu.memref_slice %arg8[%mul3A_82, %dma_start3A_116] : memref<40x128xi32, #tpu.memory_space<vmem>> -> memref<1x128xi32, #tpu.memory_space<vmem>>
        %dma_start3A_118 = tpu.memref_squeeze %dma_start3A_117 : memref<1x128xi32, #tpu.memory_space<vmem>> -> memref<128xi32, #tpu.memory_space<vmem>>
        %dma_start3A_119 = arith.constant 0 : i32
        %dma_start3A_120 = arith.constant 0 : i32
        %dma_start3A_121 = tpu.memref_slice %arg11[%dma_start3A_119, %dma_start3A_120] : memref<10240x128xf32, #tpu.memory_space<vmem_shared>> -> memref<10240x128xf32, #tpu.memory_space<vmem_shared>>
        tpu.enqueue_indirect_dma source(%arg9 : memref<128x128xf32, #tpu.memory_space<vmem>>) target(%dma_start3A_121 : memref<10240x128xf32, #tpu.memory_space<vmem_shared>>) offsets(%dma_start3A_118 : memref<128xi32, #tpu.memory_space<vmem>>) semaphore(%run_scoped3A_115 : memref<!tpu.dma_semaphore, #tpu.memory_space<semaphore_mem>>) {add = true}
        %dma_wait3A_122 = arith.constant 0 : i32
        %dma_wait3A_123 = tpu.memref_slice %arg8[%mul3A_82, %dma_wait3A_122] : memref<40x128xi32, #tpu.memory_space<vmem>> -> memref<1x128xi32, #tpu.memory_space<vmem>>
        %dma_wait3A_124 = tpu.memref_squeeze %dma_wait3A_123 : memref<1x128xi32, #tpu.memory_space<vmem>> -> memref<128xi32, #tpu.memory_space<vmem>>
        %dma_wait3A_125 = arith.constant 0 : i32
        %dma_wait3A_126 = arith.constant 0 : i32
        %dma_wait3A_127 = tpu.memref_slice %arg11[%dma_wait3A_125, %dma_wait3A_126] : memref<10240x128xf32, #tpu.memory_space<vmem_shared>> -> memref<10240x128xf32, #tpu.memory_space<vmem_shared>>
        tpu.wait_indirect_dma semaphore(%run_scoped3A_115 : memref<!tpu.dma_semaphore, #tpu.memory_space<semaphore_mem>>) src(%arg9 : memref<128x128xf32, #tpu.memory_space<vmem>>) dst(%dma_wait3A_127 : memref<10240x128xf32, #tpu.memory_space<vmem_shared>>)
        tpu.yield
      }) : () -> ()
      %add3A_93 = arith.constant 2 : i32
      %add3A_94 = arith.addi %mul3A_82, %add3A_93 : i32
      %dma_start3A_95 = arith.constant 0 : i32
      %dma_start3A_96 = tpu.memref_slice %arg7[%add3A_94, %dma_start3A_95] : memref<40x128xi32, #tpu.memory_space<vmem>> -> memref<1x128xi32, #tpu.memory_space<vmem>>
      %dma_start3A_97 = tpu.memref_squeeze %dma_start3A_96 : memref<1x128xi32, #tpu.memory_space<vmem>> -> memref<128xi32, #tpu.memory_space<vmem>>
      %dma_start3A_98 = arith.constant 0 : i32
      %dma_start3A_99 = arith.constant 0 : i32
      %dma_start3A_100 = tpu.memref_slice %arg4[%dma_start3A_98, %dma_start3A_99] : memref<10000x128xf32, #tpu.memory_space<hbm>> -> memref<10000x128xf32, #tpu.memory_space<hbm>>
      tpu.enqueue_indirect_dma source(%dma_start3A_100 : memref<10000x128xf32, #tpu.memory_space<hbm>>) target(%arg9 : memref<128x128xf32, #tpu.memory_space<vmem>>) offsets(%dma_start3A_97 : memref<128xi32, #tpu.memory_space<vmem>>) semaphore(%arg12 : memref<!tpu.dma_semaphore, #tpu.memory_space<semaphore_mem>>)
      %dma_wait3A_101 = arith.constant 0 : i32
      %dma_wait3A_102 = tpu.memref_slice %arg7[%add3A_86, %dma_wait3A_101] : memref<40x128xi32, #tpu.memory_space<vmem>> -> memref<1x128xi32, #tpu.memory_space<vmem>>
      %dma_wait3A_103 = tpu.memref_squeeze %dma_wait3A_102 : memref<1x128xi32, #tpu.memory_space<vmem>> -> memref<128xi32, #tpu.memory_space<vmem>>
      %dma_wait3A_104 = arith.constant 0 : i32
      %dma_wait3A_105 = arith.constant 0 : i32
      %dma_wait3A_106 = tpu.memref_slice %arg4[%dma_wait3A_104, %dma_wait3A_105] : memref<10000x128xf32, #tpu.memory_space<hbm>> -> memref<10000x128xf32, #tpu.memory_space<hbm>>
      tpu.wait_indirect_dma semaphore(%arg13 : memref<!tpu.dma_semaphore, #tpu.memory_space<semaphore_mem>>) src(%dma_wait3A_106 : memref<10000x128xf32, #tpu.memory_space<hbm>>) dst(%arg10 : memref<128x128xf32, #tpu.memory_space<vmem>>)
      "tpu.region"() ({
        %run_scoped3A_115 = tpu.sem_alloc : memref<!tpu.dma_semaphore, #tpu.memory_space<semaphore_mem>>
        %dma_start3A_116 = arith.constant 0 : i32
        %dma_start3A_117 = tpu.memref_slice %arg8[%add3A_86, %dma_start3A_116] : memref<40x128xi32, #tpu.memory_space<vmem>> -> memref<1x128xi32, #tpu.memory_space<vmem>>
        %dma_start3A_118 = tpu.memref_squeeze %dma_start3A_117 : memref<1x128xi32, #tpu.memory_space<vmem>> -> memref<128xi32, #tpu.memory_space<vmem>>
        %dma_start3A_119 = arith.constant 0 : i32
        %dma_start3A_120 = arith.constant 0 : i32
        %dma_start3A_121 = tpu.memref_slice %arg11[%dma_start3A_119, %dma_start3A_120] : memref<10240x128xf32, #tpu.memory_space<vmem_shared>> -> memref<10240x128xf32, #tpu.memory_space<vmem_shared>>
        tpu.enqueue_indirect_dma source(%arg10 : memref<128x128xf32, #tpu.memory_space<vmem>>) target(%dma_start3A_121 : memref<10240x128xf32, #tpu.memory_space<vmem_shared>>) offsets(%dma_start3A_118 : memref<128xi32, #tpu.memory_space<vmem>>) semaphore(%run_scoped3A_115 : memref<!tpu.dma_semaphore, #tpu.memory_space<semaphore_mem>>) {add = true}
        %dma_wait3A_122 = arith.constant 0 : i32
        %dma_wait3A_123 = tpu.memref_slice %arg8[%add3A_86, %dma_wait3A_122] : memref<40x128xi32, #tpu.memory_space<vmem>> -> memref<1x128xi32, #tpu.memory_space<vmem>>
        %dma_wait3A_124 = tpu.memref_squeeze %dma_wait3A_123 : memref<1x128xi32, #tpu.memory_space<vmem>> -> memref<128xi32, #tpu.memory_space<vmem>>
        %dma_wait3A_125 = arith.constant 0 : i32
        %dma_wait3A_126 = arith.constant 0 : i32
        %dma_wait3A_127 = tpu.memref_slice %arg11[%dma_wait3A_125, %dma_wait3A_126] : memref<10240x128xf32, #tpu.memory_space<vmem_shared>> -> memref<10240x128xf32, #tpu.memory_space<vmem_shared>>
        tpu.wait_indirect_dma semaphore(%run_scoped3A_115 : memref<!tpu.dma_semaphore, #tpu.memory_space<semaphore_mem>>) src(%arg10 : memref<128x128xf32, #tpu.memory_space<vmem>>) dst(%dma_wait3A_127 : memref<10240x128xf32, #tpu.memory_space<vmem_shared>>)
        tpu.yield
      }) : () -> ()
      %add3A_107 = arith.constant 2 : i32
      %add3A_108 = arith.addi %add3A_86, %add3A_107 : i32
      %dma_start3A_109 = arith.constant 0 : i32
      %dma_start3A_110 = tpu.memref_slice %arg7[%add3A_108, %dma_start3A_109] : memref<40x128xi32, #tpu.memory_space<vmem>> -> memref<1x128xi32, #tpu.memory_space<vmem>>
      %dma_start3A_111 = tpu.memref_squeeze %dma_start3A_110 : memref<1x128xi32, #tpu.memory_space<vmem>> -> memref<128xi32, #tpu.memory_space<vmem>>
      %dma_start3A_112 = arith.constant 0 : i32
      %dma_start3A_113 = arith.constant 0 : i32
      %dma_start3A_114 = tpu.memref_slice %arg4[%dma_start3A_112, %dma_start3A_113] : memref<10000x128xf32, #tpu.memory_space<hbm>> -> memref<10000x128xf32, #tpu.memory_space<hbm>>
      tpu.enqueue_indirect_dma source(%dma_start3A_114 : memref<10000x128xf32, #tpu.memory_space<hbm>>) target(%arg10 : memref<128x128xf32, #tpu.memory_space<vmem>>) offsets(%dma_start3A_111 : memref<128xi32, #tpu.memory_space<vmem>>) semaphore(%arg13 : memref<!tpu.dma_semaphore, #tpu.memory_space<semaphore_mem>>)
    }
    %scan3A_23 = arith.constant 19 : i32
    %dma_wait3A_24 = arith.constant 38 : i32
    %dma_wait3A_25 = arith.constant 0 : i32
    %dma_wait3A_26 = tpu.memref_slice %arg7[%dma_wait3A_24, %dma_wait3A_25] : memref<40x128xi32, #tpu.memory_space<vmem>> -> memref<1x128xi32, #tpu.memory_space<vmem>>
    %dma_wait3A_27 = tpu.memref_squeeze %dma_wait3A_26 : memref<1x128xi32, #tpu.memory_space<vmem>> -> memref<128xi32, #tpu.memory_space<vmem>>
    %dma_wait3A_28 = arith.constant 0 : i32
    %dma_wait3A_29 = arith.constant 0 : i32
    %dma_wait3A_30 = tpu.memref_slice %arg4[%dma_wait3A_28, %dma_wait3A_29] : memref<10000x128xf32, #tpu.memory_space<hbm>> -> memref<10000x128xf32, #tpu.memory_space<hbm>>
    tpu.wait_indirect_dma semaphore(%arg12 : memref<!tpu.dma_semaphore, #tpu.memory_space<semaphore_mem>>) src(%dma_wait3A_30 : memref<10000x128xf32, #tpu.memory_space<hbm>>) dst(%arg9 : memref<128x128xf32, #tpu.memory_space<vmem>>)
    %run_scoped3A = arith.constant 38 : i32
    "tpu.region"() ({
      %run_scoped3A_80 = tpu.sem_alloc : memref<!tpu.dma_semaphore, #tpu.memory_space<semaphore_mem>>
      %dma_start3A_81 = arith.constant 0 : i32
      %dma_start3A_82 = tpu.memref_slice %arg8[%run_scoped3A, %dma_start3A_81] : memref<40x128xi32, #tpu.memory_space<vmem>> -> memref<1x128xi32, #tpu.memory_space<vmem>>
      %dma_start3A_83 = tpu.memref_squeeze %dma_start3A_82 : memref<1x128xi32, #tpu.memory_space<vmem>> -> memref<128xi32, #tpu.memory_space<vmem>>
      %dma_start3A_84 = arith.constant 0 : i32
      %dma_start3A_85 = arith.constant 0 : i32
      %dma_start3A_86 = tpu.memref_slice %arg11[%dma_start3A_84, %dma_start3A_85] : memref<10240x128xf32, #tpu.memory_space<vmem_shared>> -> memref<10240x128xf32, #tpu.memory_space<vmem_shared>>
      tpu.enqueue_indirect_dma source(%arg9 : memref<128x128xf32, #tpu.memory_space<vmem>>) target(%dma_start3A_86 : memref<10240x128xf32, #tpu.memory_space<vmem_shared>>) offsets(%dma_start3A_83 : memref<128xi32, #tpu.memory_space<vmem>>) semaphore(%run_scoped3A_80 : memref<!tpu.dma_semaphore, #tpu.memory_space<semaphore_mem>>) {add = true}
      %dma_wait3A_87 = arith.constant 0 : i32
      %dma_wait3A_88 = tpu.memref_slice %arg8[%run_scoped3A, %dma_wait3A_87] : memref<40x128xi32, #tpu.memory_space<vmem>> -> memref<1x128xi32, #tpu.memory_space<vmem>>
      %dma_wait3A_89 = tpu.memref_squeeze %dma_wait3A_88 : memref<1x128xi32, #tpu.memory_space<vmem>> -> memref<128xi32, #tpu.memory_space<vmem>>
      %dma_wait3A_90 = arith.constant 0 : i32
      %dma_wait3A_91 = arith.constant 0 : i32
      %dma_wait3A_92 = tpu.memref_slice %arg11[%dma_wait3A_90, %dma_wait3A_91] : memref<10240x128xf32, #tpu.memory_space<vmem_shared>> -> memref<10240x128xf32, #tpu.memory_space<vmem_shared>>
      tpu.wait_indirect_dma semaphore(%run_scoped3A_80 : memref<!tpu.dma_semaphore, #tpu.memory_space<semaphore_mem>>) src(%arg9 : memref<128x128xf32, #tpu.memory_space<vmem>>) dst(%dma_wait3A_92 : memref<10240x128xf32, #tpu.memory_space<vmem_shared>>)
      tpu.yield
    }) : () -> ()
    %dma_wait3A_31 = arith.constant 39 : i32
    %dma_wait3A_32 = arith.constant 0 : i32
    %dma_wait3A_33 = tpu.memref_slice %arg7[%dma_wait3A_31, %dma_wait3A_32] : memref<40x128xi32, #tpu.memory_space<vmem>> -> memref<1x128xi32, #tpu.memory_space<vmem>>
    %dma_wait3A_34 = tpu.memref_squeeze %dma_wait3A_33 : memref<1x128xi32, #tpu.memory_space<vmem>> -> memref<128xi32, #tpu.memory_space<vmem>>
    %dma_wait3A_35 = arith.constant 0 : i32
    %dma_wait3A_36 = arith.constant 0 : i32
    %dma_wait3A_37 = tpu.memref_slice %arg4[%dma_wait3A_35, %dma_wait3A_36] : memref<10000x128xf32, #tpu.memory_space<hbm>> -> memref<10000x128xf32, #tpu.memory_space<hbm>>
    tpu.wait_indirect_dma semaphore(%arg13 : memref<!tpu.dma_semaphore, #tpu.memory_space<semaphore_mem>>) src(%dma_wait3A_37 : memref<10000x128xf32, #tpu.memory_space<hbm>>) dst(%arg10 : memref<128x128xf32, #tpu.memory_space<vmem>>)
    %run_scoped3A_38 = arith.constant 39 : i32
    "tpu.region"() ({
      %run_scoped3A_80 = tpu.sem_alloc : memref<!tpu.dma_semaphore, #tpu.memory_space<semaphore_mem>>
      %dma_start3A_81 = arith.constant 0 : i32
      %dma_start3A_82 = tpu.memref_slice %arg8[%run_scoped3A_38, %dma_start3A_81] : memref<40x128xi32, #tpu.memory_space<vmem>> -> memref<1x128xi32, #tpu.memory_space<vmem>>
      %dma_start3A_83 = tpu.memref_squeeze %dma_start3A_82 : memref<1x128xi32, #tpu.memory_space<vmem>> -> memref<128xi32, #tpu.memory_space<vmem>>
      %dma_start3A_84 = arith.constant 0 : i32
      %dma_start3A_85 = arith.constant 0 : i32
      %dma_start3A_86 = tpu.memref_slice %arg11[%dma_start3A_84, %dma_start3A_85] : memref<10240x128xf32, #tpu.memory_space<vmem_shared>> -> memref<10240x128xf32, #tpu.memory_space<vmem_shared>>
      tpu.enqueue_indirect_dma source(%arg10 : memref<128x128xf32, #tpu.memory_space<vmem>>) target(%dma_start3A_86 : memref<10240x128xf32, #tpu.memory_space<vmem_shared>>) offsets(%dma_start3A_83 : memref<128xi32, #tpu.memory_space<vmem>>) semaphore(%run_scoped3A_80 : memref<!tpu.dma_semaphore, #tpu.memory_space<semaphore_mem>>) {add = true}
      %dma_wait3A_87 = arith.constant 0 : i32
      %dma_wait3A_88 = tpu.memref_slice %arg8[%run_scoped3A_38, %dma_wait3A_87] : memref<40x128xi32, #tpu.memory_space<vmem>> -> memref<1x128xi32, #tpu.memory_space<vmem>>
      %dma_wait3A_89 = tpu.memref_squeeze %dma_wait3A_88 : memref<1x128xi32, #tpu.memory_space<vmem>> -> memref<128xi32, #tpu.memory_space<vmem>>
      %dma_wait3A_90 = arith.constant 0 : i32
      %dma_wait3A_91 = arith.constant 0 : i32
      %dma_wait3A_92 = tpu.memref_slice %arg11[%dma_wait3A_90, %dma_wait3A_91] : memref<10240x128xf32, #tpu.memory_space<vmem_shared>> -> memref<10240x128xf32, #tpu.memory_space<vmem_shared>>
      tpu.wait_indirect_dma semaphore(%run_scoped3A_80 : memref<!tpu.dma_semaphore, #tpu.memory_space<semaphore_mem>>) src(%arg10 : memref<128x128xf32, #tpu.memory_space<vmem>>) dst(%dma_wait3A_92 : memref<10240x128xf32, #tpu.memory_space<vmem_shared>>)
      tpu.yield
    }) : () -> ()
    "tpu.region"() ({
      %run_scoped3A_80 = tpu.sem_alloc : memref<!tpu.dma_semaphore, #tpu.memory_space<semaphore_mem>>
      %dma_start3A_81 = arith.constant 40 : i32
      %dma_start3A_82 = arith.constant 0 : i32
      %dma_start3A_83 = tpu.memref_slice %arg2[%add3A, %dma_start3A_81, %dma_start3A_82] : memref<32x80x128xi32, #tpu.memory_space<hbm>> -> memref<1x40x128xi32, #tpu.memory_space<hbm>>
      %dma_start3A_84 = tpu.memref_squeeze %dma_start3A_83 : memref<1x40x128xi32, #tpu.memory_space<hbm>> -> memref<40x128xi32, #tpu.memory_space<hbm>>
      %dma_start3A_85 = arith.constant 40 : i32
      %dma_start3A_86 = arith.constant 0 : i32
      %dma_start3A_87 = tpu.memref_slice %arg2[%add3A, %dma_start3A_85, %dma_start3A_86] : memref<32x80x128xi32, #tpu.memory_space<hbm>> -> memref<1x40x128xi32, #tpu.memory_space<hbm>>
      %dma_start3A_88 = tpu.memref_squeeze %dma_start3A_87 : memref<1x40x128xi32, #tpu.memory_space<hbm>> -> memref<40x128xi32, #tpu.memory_space<hbm>>
      tpu.enqueue_dma source(%dma_start3A_88 : memref<40x128xi32, #tpu.memory_space<hbm>>) target(%arg7 : memref<40x128xi32, #tpu.memory_space<vmem>>) target_semaphore(%run_scoped3A_80 : memref<!tpu.dma_semaphore, #tpu.memory_space<semaphore_mem>>)
      %dma_wait3A_89 = arith.constant 40 : i32
      %dma_wait3A_90 = arith.constant 0 : i32
      %dma_wait3A_91 = tpu.memref_slice %arg2[%add3A, %dma_wait3A_89, %dma_wait3A_90] : memref<32x80x128xi32, #tpu.memory_space<hbm>> -> memref<1x40x128xi32, #tpu.memory_space<hbm>>
      %dma_wait3A_92 = tpu.memref_squeeze %dma_wait3A_91 : memref<1x40x128xi32, #tpu.memory_space<hbm>> -> memref<40x128xi32, #tpu.memory_space<hbm>>
      %dma_wait3A_93 = arith.constant 40 : i32
      %dma_wait3A_94 = arith.constant 0 : i32
      %dma_wait3A_95 = tpu.memref_slice %arg2[%add3A, %dma_wait3A_93, %dma_wait3A_94] : memref<32x80x128xi32, #tpu.memory_space<hbm>> -> memref<1x40x128xi32, #tpu.memory_space<hbm>>
      %dma_wait3A_96 = tpu.memref_squeeze %dma_wait3A_95 : memref<1x40x128xi32, #tpu.memory_space<hbm>> -> memref<40x128xi32, #tpu.memory_space<hbm>>
      tpu.wait_dma2 semaphore(%run_scoped3A_80 : memref<!tpu.dma_semaphore, #tpu.memory_space<semaphore_mem>>) src(%dma_wait3A_96 : memref<40x128xi32, #tpu.memory_space<hbm>>) dst(%arg7 : memref<40x128xi32, #tpu.memory_space<vmem>>)
      tpu.yield
    }) : () -> ()
    "tpu.region"() ({
      %run_scoped3A_80 = tpu.sem_alloc : memref<!tpu.dma_semaphore, #tpu.memory_space<semaphore_mem>>
      %dma_start3A_81 = arith.constant 40 : i32
      %dma_start3A_82 = arith.constant 0 : i32
      %dma_start3A_83 = tpu.memref_slice %arg3[%add3A, %dma_start3A_81, %dma_start3A_82] : memref<32x80x128xi32, #tpu.memory_space<hbm>> -> memref<1x40x128xi32, #tpu.memory_space<hbm>>
      %dma_start3A_84 = tpu.memref_squeeze %dma_start3A_83 : memref<1x40x128xi32, #tpu.memory_space<hbm>> -> memref<40x128xi32, #tpu.memory_space<hbm>>
      %dma_start3A_85 = arith.constant 40 : i32
      %dma_start3A_86 = arith.constant 0 : i32
      %dma_start3A_87 = tpu.memref_slice %arg3[%add3A, %dma_start3A_85, %dma_start3A_86] : memref<32x80x128xi32, #tpu.memory_space<hbm>> -> memref<1x40x128xi32, #tpu.memory_space<hbm>>
      %dma_start3A_88 = tpu.memref_squeeze %dma_start3A_87 : memref<1x40x128xi32, #tpu.memory_space<hbm>> -> memref<40x128xi32, #tpu.memory_space<hbm>>
      tpu.enqueue_dma source(%dma_start3A_88 : memref<40x128xi32, #tpu.memory_space<hbm>>) target(%arg8 : memref<40x128xi32, #tpu.memory_space<vmem>>) target_semaphore(%run_scoped3A_80 : memref<!tpu.dma_semaphore, #tpu.memory_space<semaphore_mem>>)
      %dma_wait3A_89 = arith.constant 40 : i32
      %dma_wait3A_90 = arith.constant 0 : i32
      %dma_wait3A_91 = tpu.memref_slice %arg3[%add3A, %dma_wait3A_89, %dma_wait3A_90] : memref<32x80x128xi32, #tpu.memory_space<hbm>> -> memref<1x40x128xi32, #tpu.memory_space<hbm>>
      %dma_wait3A_92 = tpu.memref_squeeze %dma_wait3A_91 : memref<1x40x128xi32, #tpu.memory_space<hbm>> -> memref<40x128xi32, #tpu.memory_space<hbm>>
      %dma_wait3A_93 = arith.constant 40 : i32
      %dma_wait3A_94 = arith.constant 0 : i32
      %dma_wait3A_95 = tpu.memref_slice %arg3[%add3A, %dma_wait3A_93, %dma_wait3A_94] : memref<32x80x128xi32, #tpu.memory_space<hbm>> -> memref<1x40x128xi32, #tpu.memory_space<hbm>>
      %dma_wait3A_96 = tpu.memref_squeeze %dma_wait3A_95 : memref<1x40x128xi32, #tpu.memory_space<hbm>> -> memref<40x128xi32, #tpu.memory_space<hbm>>
      tpu.wait_dma2 semaphore(%run_scoped3A_80 : memref<!tpu.dma_semaphore, #tpu.memory_space<semaphore_mem>>) src(%dma_wait3A_96 : memref<40x128xi32, #tpu.memory_space<hbm>>) dst(%arg8 : memref<40x128xi32, #tpu.memory_space<vmem>>)
      tpu.yield
    }) : () -> ()
    %dma_start3A_39 = arith.constant 0 : i32
    %dma_start3A_40 = arith.constant 0 : i32
    %dma_start3A_41 = tpu.memref_slice %arg7[%dma_start3A_39, %dma_start3A_40] : memref<40x128xi32, #tpu.memory_space<vmem>> -> memref<1x128xi32, #tpu.memory_space<vmem>>
    %dma_start3A_42 = tpu.memref_squeeze %dma_start3A_41 : memref<1x128xi32, #tpu.memory_space<vmem>> -> memref<128xi32, #tpu.memory_space<vmem>>
    %dma_start3A_43 = arith.constant 0 : i32
    %dma_start3A_44 = arith.constant 0 : i32
    %dma_start3A_45 = tpu.memref_slice %arg4[%dma_start3A_43, %dma_start3A_44] : memref<10000x128xf32, #tpu.memory_space<hbm>> -> memref<10000x128xf32, #tpu.memory_space<hbm>>
    tpu.enqueue_indirect_dma source(%dma_start3A_45 : memref<10000x128xf32, #tpu.memory_space<hbm>>) target(%arg9 : memref<128x128xf32, #tpu.memory_space<vmem>>) offsets(%dma_start3A_42 : memref<128xi32, #tpu.memory_space<vmem>>) semaphore(%arg12 : memref<!tpu.dma_semaphore, #tpu.memory_space<semaphore_mem>>)
    %dma_start3A_46 = arith.constant 1 : i32
    %dma_start3A_47 = arith.constant 0 : i32
    %dma_start3A_48 = tpu.memref_slice %arg7[%dma_start3A_46, %dma_start3A_47] : memref<40x128xi32, #tpu.memory_space<vmem>> -> memref<1x128xi32, #tpu.memory_space<vmem>>
    %dma_start3A_49 = tpu.memref_squeeze %dma_start3A_48 : memref<1x128xi32, #tpu.memory_space<vmem>> -> memref<128xi32, #tpu.memory_space<vmem>>
    %dma_start3A_50 = arith.constant 0 : i32
    %dma_start3A_51 = arith.constant 0 : i32
    %dma_start3A_52 = tpu.memref_slice %arg4[%dma_start3A_50, %dma_start3A_51] : memref<10000x128xf32, #tpu.memory_space<hbm>> -> memref<10000x128xf32, #tpu.memory_space<hbm>>
    tpu.enqueue_indirect_dma source(%dma_start3A_52 : memref<10000x128xf32, #tpu.memory_space<hbm>>) target(%arg10 : memref<128x128xf32, #tpu.memory_space<vmem>>) offsets(%dma_start3A_49 : memref<128xi32, #tpu.memory_space<vmem>>) semaphore(%arg13 : memref<!tpu.dma_semaphore, #tpu.memory_space<semaphore_mem>>)
    %scan3A_53 = arith.constant 0 : i32
    %scan3A_54 = arith.constant 0 : i32
    %scan3A_55 = arith.constant 19 : i32
    %scan3A_56 = arith.addi %scan3A_54, %scan3A_55 : i32
    %scan3A_57 = arith.constant 1 : i32
    scf.for %scan3A_80 = %scan3A_54 to %scan3A_56 step %scan3A_57  : i32 {
      %mul3A_81 = arith.constant 2 : i32
      %mul3A_82 = arith.muli %mul3A_81, %scan3A_80 : i32
      %mul3A_83 = arith.constant 2 : i32
      %mul3A_84 = arith.muli %mul3A_83, %scan3A_80 : i32
      %add3A_85 = arith.constant 1 : i32
      %add3A_86 = arith.addi %mul3A_84, %add3A_85 : i32
      %dma_wait3A_87 = arith.constant 0 : i32
      %dma_wait3A_88 = tpu.memref_slice %arg7[%mul3A_82, %dma_wait3A_87] : memref<40x128xi32, #tpu.memory_space<vmem>> -> memref<1x128xi32, #tpu.memory_space<vmem>>
      %dma_wait3A_89 = tpu.memref_squeeze %dma_wait3A_88 : memref<1x128xi32, #tpu.memory_space<vmem>> -> memref<128xi32, #tpu.memory_space<vmem>>
      %dma_wait3A_90 = arith.constant 0 : i32
      %dma_wait3A_91 = arith.constant 0 : i32
      %dma_wait3A_92 = tpu.memref_slice %arg4[%dma_wait3A_90, %dma_wait3A_91] : memref<10000x128xf32, #tpu.memory_space<hbm>> -> memref<10000x128xf32, #tpu.memory_space<hbm>>
      tpu.wait_indirect_dma semaphore(%arg12 : memref<!tpu.dma_semaphore, #tpu.memory_space<semaphore_mem>>) src(%dma_wait3A_92 : memref<10000x128xf32, #tpu.memory_space<hbm>>) dst(%arg9 : memref<128x128xf32, #tpu.memory_space<vmem>>)
      "tpu.region"() ({
        %run_scoped3A_115 = tpu.sem_alloc : memref<!tpu.dma_semaphore, #tpu.memory_space<semaphore_mem>>
        %dma_start3A_116 = arith.constant 0 : i32
        %dma_start3A_117 = tpu.memref_slice %arg8[%mul3A_82, %dma_start3A_116] : memref<40x128xi32, #tpu.memory_space<vmem>> -> memref<1x128xi32, #tpu.memory_space<vmem>>
        %dma_start3A_118 = tpu.memref_squeeze %dma_start3A_117 : memref<1x128xi32, #tpu.memory_space<vmem>> -> memref<128xi32, #tpu.memory_space<vmem>>
        %dma_start3A_119 = arith.constant 0 : i32
        %dma_start3A_120 = arith.constant 0 : i32
        %dma_start3A_121 = tpu.memref_slice %arg11[%dma_start3A_119, %dma_start3A_120] : memref<10240x128xf32, #tpu.memory_space<vmem_shared>> -> memref<10240x128xf32, #tpu.memory_space<vmem_shared>>
        tpu.enqueue_indirect_dma source(%arg9 : memref<128x128xf32, #tpu.memory_space<vmem>>) target(%dma_start3A_121 : memref<10240x128xf32, #tpu.memory_space<vmem_shared>>) offsets(%dma_start3A_118 : memref<128xi32, #tpu.memory_space<vmem>>) semaphore(%run_scoped3A_115 : memref<!tpu.dma_semaphore, #tpu.memory_space<semaphore_mem>>) {add = true}
        %dma_wait3A_122 = arith.constant 0 : i32
        %dma_wait3A_123 = tpu.memref_slice %arg8[%mul3A_82, %dma_wait3A_122] : memref<40x128xi32, #tpu.memory_space<vmem>> -> memref<1x128xi32, #tpu.memory_space<vmem>>
        %dma_wait3A_124 = tpu.memref_squeeze %dma_wait3A_123 : memref<1x128xi32, #tpu.memory_space<vmem>> -> memref<128xi32, #tpu.memory_space<vmem>>
        %dma_wait3A_125 = arith.constant 0 : i32
        %dma_wait3A_126 = arith.constant 0 : i32
        %dma_wait3A_127 = tpu.memref_slice %arg11[%dma_wait3A_125, %dma_wait3A_126] : memref<10240x128xf32, #tpu.memory_space<vmem_shared>> -> memref<10240x128xf32, #tpu.memory_space<vmem_shared>>
        tpu.wait_indirect_dma semaphore(%run_scoped3A_115 : memref<!tpu.dma_semaphore, #tpu.memory_space<semaphore_mem>>) src(%arg9 : memref<128x128xf32, #tpu.memory_space<vmem>>) dst(%dma_wait3A_127 : memref<10240x128xf32, #tpu.memory_space<vmem_shared>>)
        tpu.yield
      }) : () -> ()
      %add3A_93 = arith.constant 2 : i32
      %add3A_94 = arith.addi %mul3A_82, %add3A_93 : i32
      %dma_start3A_95 = arith.constant 0 : i32
      %dma_start3A_96 = tpu.memref_slice %arg7[%add3A_94, %dma_start3A_95] : memref<40x128xi32, #tpu.memory_space<vmem>> -> memref<1x128xi32, #tpu.memory_space<vmem>>
      %dma_start3A_97 = tpu.memref_squeeze %dma_start3A_96 : memref<1x128xi32, #tpu.memory_space<vmem>> -> memref<128xi32, #tpu.memory_space<vmem>>
      %dma_start3A_98 = arith.constant 0 : i32
      %dma_start3A_99 = arith.constant 0 : i32
      %dma_start3A_100 = tpu.memref_slice %arg4[%dma_start3A_98, %dma_start3A_99] : memref<10000x128xf32, #tpu.memory_space<hbm>> -> memref<10000x128xf32, #tpu.memory_space<hbm>>
      tpu.enqueue_indirect_dma source(%dma_start3A_100 : memref<10000x128xf32, #tpu.memory_space<hbm>>) target(%arg9 : memref<128x128xf32, #tpu.memory_space<vmem>>) offsets(%dma_start3A_97 : memref<128xi32, #tpu.memory_space<vmem>>) semaphore(%arg12 : memref<!tpu.dma_semaphore, #tpu.memory_space<semaphore_mem>>)
      %dma_wait3A_101 = arith.constant 0 : i32
      %dma_wait3A_102 = tpu.memref_slice %arg7[%add3A_86, %dma_wait3A_101] : memref<40x128xi32, #tpu.memory_space<vmem>> -> memref<1x128xi32, #tpu.memory_space<vmem>>
      %dma_wait3A_103 = tpu.memref_squeeze %dma_wait3A_102 : memref<1x128xi32, #tpu.memory_space<vmem>> -> memref<128xi32, #tpu.memory_space<vmem>>
      %dma_wait3A_104 = arith.constant 0 : i32
      %dma_wait3A_105 = arith.constant 0 : i32
      %dma_wait3A_106 = tpu.memref_slice %arg4[%dma_wait3A_104, %dma_wait3A_105] : memref<10000x128xf32, #tpu.memory_space<hbm>> -> memref<10000x128xf32, #tpu.memory_space<hbm>>
      tpu.wait_indirect_dma semaphore(%arg13 : memref<!tpu.dma_semaphore, #tpu.memory_space<semaphore_mem>>) src(%dma_wait3A_106 : memref<10000x128xf32, #tpu.memory_space<hbm>>) dst(%arg10 : memref<128x128xf32, #tpu.memory_space<vmem>>)
      "tpu.region"() ({
        %run_scoped3A_115 = tpu.sem_alloc : memref<!tpu.dma_semaphore, #tpu.memory_space<semaphore_mem>>
        %dma_start3A_116 = arith.constant 0 : i32
        %dma_start3A_117 = tpu.memref_slice %arg8[%add3A_86, %dma_start3A_116] : memref<40x128xi32, #tpu.memory_space<vmem>> -> memref<1x128xi32, #tpu.memory_space<vmem>>
        %dma_start3A_118 = tpu.memref_squeeze %dma_start3A_117 : memref<1x128xi32, #tpu.memory_space<vmem>> -> memref<128xi32, #tpu.memory_space<vmem>>
        %dma_start3A_119 = arith.constant 0 : i32
        %dma_start3A_120 = arith.constant 0 : i32
        %dma_start3A_121 = tpu.memref_slice %arg11[%dma_start3A_119, %dma_start3A_120] : memref<10240x128xf32, #tpu.memory_space<vmem_shared>> -> memref<10240x128xf32, #tpu.memory_space<vmem_shared>>
        tpu.enqueue_indirect_dma source(%arg10 : memref<128x128xf32, #tpu.memory_space<vmem>>) target(%dma_start3A_121 : memref<10240x128xf32, #tpu.memory_space<vmem_shared>>) offsets(%dma_start3A_118 : memref<128xi32, #tpu.memory_space<vmem>>) semaphore(%run_scoped3A_115 : memref<!tpu.dma_semaphore, #tpu.memory_space<semaphore_mem>>) {add = true}
        %dma_wait3A_122 = arith.constant 0 : i32
        %dma_wait3A_123 = tpu.memref_slice %arg8[%add3A_86, %dma_wait3A_122] : memref<40x128xi32, #tpu.memory_space<vmem>> -> memref<1x128xi32, #tpu.memory_space<vmem>>
        %dma_wait3A_124 = tpu.memref_squeeze %dma_wait3A_123 : memref<1x128xi32, #tpu.memory_space<vmem>> -> memref<128xi32, #tpu.memory_space<vmem>>
        %dma_wait3A_125 = arith.constant 0 : i32
        %dma_wait3A_126 = arith.constant 0 : i32
        %dma_wait3A_127 = tpu.memref_slice %arg11[%dma_wait3A_125, %dma_wait3A_126] : memref<10240x128xf32, #tpu.memory_space<vmem_shared>> -> memref<10240x128xf32, #tpu.memory_space<vmem_shared>>
        tpu.wait_indirect_dma semaphore(%run_scoped3A_115 : memref<!tpu.dma_semaphore, #tpu.memory_space<semaphore_mem>>) src(%arg10 : memref<128x128xf32, #tpu.memory_space<vmem>>) dst(%dma_wait3A_127 : memref<10240x128xf32, #tpu.memory_space<vmem_shared>>)
        tpu.yield
      }) : () -> ()
      %add3A_107 = arith.constant 2 : i32
      %add3A_108 = arith.addi %add3A_86, %add3A_107 : i32
      %dma_start3A_109 = arith.constant 0 : i32
      %dma_start3A_110 = tpu.memref_slice %arg7[%add3A_108, %dma_start3A_109] : memref<40x128xi32, #tpu.memory_space<vmem>> -> memref<1x128xi32, #tpu.memory_space<vmem>>
      %dma_start3A_111 = tpu.memref_squeeze %dma_start3A_110 : memref<1x128xi32, #tpu.memory_space<vmem>> -> memref<128xi32, #tpu.memory_space<vmem>>
      %dma_start3A_112 = arith.constant 0 : i32
      %dma_start3A_113 = arith.constant 0 : i32
      %dma_start3A_114 = tpu.memref_slice %arg4[%dma_start3A_112, %dma_start3A_113] : memref<10000x128xf32, #tpu.memory_space<hbm>> -> memref<10000x128xf32, #tpu.memory_space<hbm>>
      tpu.enqueue_indirect_dma source(%dma_start3A_114 : memref<10000x128xf32, #tpu.memory_space<hbm>>) target(%arg10 : memref<128x128xf32, #tpu.memory_space<vmem>>) offsets(%dma_start3A_111 : memref<128xi32, #tpu.memory_space<vmem>>) semaphore(%arg13 : memref<!tpu.dma_semaphore, #tpu.memory_space<semaphore_mem>>)
    }
    %scan3A_58 = arith.constant 19 : i32
    %dma_wait3A_59 = arith.constant 38 : i32
    %dma_wait3A_60 = arith.constant 0 : i32
    %dma_wait3A_61 = tpu.memref_slice %arg7[%dma_wait3A_59, %dma_wait3A_60] : memref<40x128xi32, #tpu.memory_space<vmem>> -> memref<1x128xi32, #tpu.memory_space<vmem>>
    %dma_wait3A_62 = tpu.memref_squeeze %dma_wait3A_61 : memref<1x128xi32, #tpu.memory_space<vmem>> -> memref<128xi32, #tpu.memory_space<vmem>>
    %dma_wait3A_63 = arith.constant 0 : i32
    %dma_wait3A_64 = arith.constant 0 : i32
    %dma_wait3A_65 = tpu.memref_slice %arg4[%dma_wait3A_63, %dma_wait3A_64] : memref<10000x128xf32, #tpu.memory_space<hbm>> -> memref<10000x128xf32, #tpu.memory_space<hbm>>
    tpu.wait_indirect_dma semaphore(%arg12 : memref<!tpu.dma_semaphore, #tpu.memory_space<semaphore_mem>>) src(%dma_wait3A_65 : memref<10000x128xf32, #tpu.memory_space<hbm>>) dst(%arg9 : memref<128x128xf32, #tpu.memory_space<vmem>>)
    %run_scoped3A_66 = arith.constant 38 : i32
    "tpu.region"() ({
      %run_scoped3A_80 = tpu.sem_alloc : memref<!tpu.dma_semaphore, #tpu.memory_space<semaphore_mem>>
      %dma_start3A_81 = arith.constant 0 : i32
      %dma_start3A_82 = tpu.memref_slice %arg8[%run_scoped3A_66, %dma_start3A_81] : memref<40x128xi32, #tpu.memory_space<vmem>> -> memref<1x128xi32, #tpu.memory_space<vmem>>
      %dma_start3A_83 = tpu.memref_squeeze %dma_start3A_82 : memref<1x128xi32, #tpu.memory_space<vmem>> -> memref<128xi32, #tpu.memory_space<vmem>>
      %dma_start3A_84 = arith.constant 0 : i32
      %dma_start3A_85 = arith.constant 0 : i32
      %dma_start3A_86 = tpu.memref_slice %arg11[%dma_start3A_84, %dma_start3A_85] : memref<10240x128xf32, #tpu.memory_space<vmem_shared>> -> memref<10240x128xf32, #tpu.memory_space<vmem_shared>>
      tpu.enqueue_indirect_dma source(%arg9 : memref<128x128xf32, #tpu.memory_space<vmem>>) target(%dma_start3A_86 : memref<10240x128xf32, #tpu.memory_space<vmem_shared>>) offsets(%dma_start3A_83 : memref<128xi32, #tpu.memory_space<vmem>>) semaphore(%run_scoped3A_80 : memref<!tpu.dma_semaphore, #tpu.memory_space<semaphore_mem>>) {add = true}
      %dma_wait3A_87 = arith.constant 0 : i32
      %dma_wait3A_88 = tpu.memref_slice %arg8[%run_scoped3A_66, %dma_wait3A_87] : memref<40x128xi32, #tpu.memory_space<vmem>> -> memref<1x128xi32, #tpu.memory_space<vmem>>
      %dma_wait3A_89 = tpu.memref_squeeze %dma_wait3A_88 : memref<1x128xi32, #tpu.memory_space<vmem>> -> memref<128xi32, #tpu.memory_space<vmem>>
      %dma_wait3A_90 = arith.constant 0 : i32
      %dma_wait3A_91 = arith.constant 0 : i32
      %dma_wait3A_92 = tpu.memref_slice %arg11[%dma_wait3A_90, %dma_wait3A_91] : memref<10240x128xf32, #tpu.memory_space<vmem_shared>> -> memref<10240x128xf32, #tpu.memory_space<vmem_shared>>
      tpu.wait_indirect_dma semaphore(%run_scoped3A_80 : memref<!tpu.dma_semaphore, #tpu.memory_space<semaphore_mem>>) src(%arg9 : memref<128x128xf32, #tpu.memory_space<vmem>>) dst(%dma_wait3A_92 : memref<10240x128xf32, #tpu.memory_space<vmem_shared>>)
      tpu.yield
    }) : () -> ()
    %dma_wait3A_67 = arith.constant 39 : i32
    %dma_wait3A_68 = arith.constant 0 : i32
    %dma_wait3A_69 = tpu.memref_slice %arg7[%dma_wait3A_67, %dma_wait3A_68] : memref<40x128xi32, #tpu.memory_space<vmem>> -> memref<1x128xi32, #tpu.memory_space<vmem>>
    %dma_wait3A_70 = tpu.memref_squeeze %dma_wait3A_69 : memref<1x128xi32, #tpu.memory_space<vmem>> -> memref<128xi32, #tpu.memory_space<vmem>>
    %dma_wait3A_71 = arith.constant 0 : i32
    %dma_wait3A_72 = arith.constant 0 : i32
    %dma_wait3A_73 = tpu.memref_slice %arg4[%dma_wait3A_71, %dma_wait3A_72] : memref<10000x128xf32, #tpu.memory_space<hbm>> -> memref<10000x128xf32, #tpu.memory_space<hbm>>
    tpu.wait_indirect_dma semaphore(%arg13 : memref<!tpu.dma_semaphore, #tpu.memory_space<semaphore_mem>>) src(%dma_wait3A_73 : memref<10000x128xf32, #tpu.memory_space<hbm>>) dst(%arg10 : memref<128x128xf32, #tpu.memory_space<vmem>>)
    %run_scoped3A_74 = arith.constant 39 : i32
    "tpu.region"() ({
      %run_scoped3A_80 = tpu.sem_alloc : memref<!tpu.dma_semaphore, #tpu.memory_space<semaphore_mem>>
      %dma_start3A_81 = arith.constant 0 : i32
      %dma_start3A_82 = tpu.memref_slice %arg8[%run_scoped3A_74, %dma_start3A_81] : memref<40x128xi32, #tpu.memory_space<vmem>> -> memref<1x128xi32, #tpu.memory_space<vmem>>
      %dma_start3A_83 = tpu.memref_squeeze %dma_start3A_82 : memref<1x128xi32, #tpu.memory_space<vmem>> -> memref<128xi32, #tpu.memory_space<vmem>>
      %dma_start3A_84 = arith.constant 0 : i32
      %dma_start3A_85 = arith.constant 0 : i32
      %dma_start3A_86 = tpu.memref_slice %arg11[%dma_start3A_84, %dma_start3A_85] : memref<10240x128xf32, #tpu.memory_space<vmem_shared>> -> memref<10240x128xf32, #tpu.memory_space<vmem_shared>>
      tpu.enqueue_indirect_dma source(%arg10 : memref<128x128xf32, #tpu.memory_space<vmem>>) target(%dma_start3A_86 : memref<10240x128xf32, #tpu.memory_space<vmem_shared>>) offsets(%dma_start3A_83 : memref<128xi32, #tpu.memory_space<vmem>>) semaphore(%run_scoped3A_80 : memref<!tpu.dma_semaphore, #tpu.memory_space<semaphore_mem>>) {add = true}
      %dma_wait3A_87 = arith.constant 0 : i32
      %dma_wait3A_88 = tpu.memref_slice %arg8[%run_scoped3A_74, %dma_wait3A_87] : memref<40x128xi32, #tpu.memory_space<vmem>> -> memref<1x128xi32, #tpu.memory_space<vmem>>
      %dma_wait3A_89 = tpu.memref_squeeze %dma_wait3A_88 : memref<1x128xi32, #tpu.memory_space<vmem>> -> memref<128xi32, #tpu.memory_space<vmem>>
      %dma_wait3A_90 = arith.constant 0 : i32
      %dma_wait3A_91 = arith.constant 0 : i32
      %dma_wait3A_92 = tpu.memref_slice %arg11[%dma_wait3A_90, %dma_wait3A_91] : memref<10240x128xf32, #tpu.memory_space<vmem_shared>> -> memref<10240x128xf32, #tpu.memory_space<vmem_shared>>
      tpu.wait_indirect_dma semaphore(%run_scoped3A_80 : memref<!tpu.dma_semaphore, #tpu.memory_space<semaphore_mem>>) src(%arg10 : memref<128x128xf32, #tpu.memory_space<vmem>>) dst(%dma_wait3A_92 : memref<10240x128xf32, #tpu.memory_space<vmem_shared>>)
      tpu.yield
    }) : () -> ()
    %barrier3A_75 = arith.constant 0 : index
    tpu.barrier barrier_id(%barrier3A_75)
    %mul3A_76 = arith.constant 640 : i32
    %mul3A_77 = arith.muli %arg1, %mul3A_76 : i32
    %mul3A_78 = arith.constant 640 : i32
    %mul3A_79 = arith.muli %arg1, %mul3A_78 : i32
    "tpu.region"() ({
      %run_scoped3A_80 = tpu.sem_alloc : memref<!tpu.dma_semaphore, #tpu.memory_space<semaphore_mem>>
      %dma_start3A_81 = arith.constant 0 : i32
      %dma_start3A_82 = tpu.memref_slice %arg6[%arg0, %mul3A_79, %dma_start3A_81] : memref<2x10240x128xf32, #tpu.memory_space<hbm>> -> memref<1x640x128xf32, #tpu.memory_space<hbm>>
      %dma_start3A_83 = tpu.memref_squeeze %dma_start3A_82 : memref<1x640x128xf32, #tpu.memory_space<hbm>> -> memref<640x128xf32, #tpu.memory_space<hbm>>
      %dma_start3A_84 = arith.constant 0 : i32
      %dma_start3A_85 = tpu.memref_slice %arg11[%mul3A_77, %dma_start3A_84] : memref<10240x128xf32, #tpu.memory_space<vmem_shared>> -> memref<640x128xf32, #tpu.memory_space<vmem_shared>>
      tpu.enqueue_dma source(%dma_start3A_85 : memref<640x128xf32, #tpu.memory_space<vmem_shared>>) target(%dma_start3A_83 : memref<640x128xf32, #tpu.memory_space<hbm>>) target_semaphore(%run_scoped3A_80 : memref<!tpu.dma_semaphore, #tpu.memory_space<semaphore_mem>>)
      %dma_wait3A_86 = arith.constant 0 : i32
      %dma_wait3A_87 = tpu.memref_slice %arg6[%arg0, %mul3A_79, %dma_wait3A_86] : memref<2x10240x128xf32, #tpu.memory_space<hbm>> -> memref<1x640x128xf32, #tpu.memory_space<hbm>>
      %dma_wait3A_88 = tpu.memref_squeeze %dma_wait3A_87 : memref<1x640x128xf32, #tpu.memory_space<hbm>> -> memref<640x128xf32, #tpu.memory_space<hbm>>
      %dma_wait3A_89 = arith.constant 0 : i32
      %dma_wait3A_90 = tpu.memref_slice %arg11[%mul3A_77, %dma_wait3A_89] : memref<10240x128xf32, #tpu.memory_space<vmem_shared>> -> memref<640x128xf32, #tpu.memory_space<vmem_shared>>
      tpu.wait_dma2 semaphore(%run_scoped3A_80 : memref<!tpu.dma_semaphore, #tpu.memory_space<semaphore_mem>>) src(%dma_wait3A_90 : memref<640x128xf32, #tpu.memory_space<vmem_shared>>) dst(%dma_wait3A_88 : memref<640x128xf32, #tpu.memory_space<hbm>>)
      tpu.yield
    }) : () -> ()
    return
  }
}

module attributes {stable_mosaic.version = 14 : i64} {
  func.func @_scale_body(%arg0: i32, %arg1: memref<2x1000x1xf32, #tpu.memory_space<vmem>>, %arg2: memref<1000x128xf32, #tpu.memory_space<vmem>>, %arg3: memref<1000x128xf32, #tpu.memory_space<vmem>>) attributes {dimension_semantics = [#tpu.dimension_semantics<arbitrary>], iteration_bounds = array<i64: 10>, scalar_prefetch = 0 : i64, scratch_operands = 0 : i64, tpu.core_type = #tpu.core_type<tc>, window_params = [{transform_indices = @transform_0, window_bounds = array<i64: 2, 1000, 1>}, {transform_indices = @transform_1, window_bounds = array<i64: 1000, 128>}, {transform_indices = @transform_2, window_bounds = array<i64: 1000, 128>}]} {
    %get3A = arith.constant 0 : index
    %get3A_0 = arith.constant 0 : index
    %get3A_1 = arith.constant 0 : index
    %get3A_2 = vector.load %arg1[%get3A, %get3A_0, %get3A_1] : memref<2x1000x1xf32, #tpu.memory_space<vmem>>, vector<1x1000x1xf32>
    %get3A_3 = vector.shape_cast %get3A_2 : vector<1x1000x1xf32> to vector<1000x1xf32>
    %get3A_4 = arith.constant 1 : index
    %get3A_5 = arith.constant 0 : index
    %get3A_6 = arith.constant 0 : index
    %get3A_7 = vector.load %arg1[%get3A_4, %get3A_5, %get3A_6] : memref<2x1000x1xf32, #tpu.memory_space<vmem>>, vector<1x1000x1xf32>
    %get3A_8 = vector.shape_cast %get3A_7 : vector<1x1000x1xf32> to vector<1000x1xf32>
    %add3A = arith.addf %get3A_3, %get3A_8 : vector<1000x1xf32>
    %max3A = arith.constant 1.000000e+00 : f32
    %max3A_9 = vector.broadcast %max3A : f32 to vector<1000x1xf32>
    %max3A_10 = arith.maximumf %add3A, %max3A_9 : vector<1000x1xf32>
    %rsqrt3A = math.rsqrt %max3A_10 : vector<1000x1xf32>
    %get3A_11 = arith.constant 0 : index
    %get3A_12 = arith.constant 0 : index
    %get3A_13 = vector.load %arg2[%get3A_11, %get3A_12] : memref<1000x128xf32, #tpu.memory_space<vmem>>, vector<1000x128xf32>
    %mul3A = vector.broadcast %rsqrt3A : vector<1000x1xf32> to vector<1000x128xf32>
    %mul3A_14 = arith.mulf %get3A_13, %mul3A : vector<1000x128xf32>
    %swap3A = arith.constant 0 : index
    %swap3A_15 = arith.constant 0 : index
    %swap3A_16 = vector.load %arg3[%swap3A, %swap3A_15] : memref<1000x128xf32, #tpu.memory_space<vmem>>, vector<1000x128xf32>
    tpu.vector_store %arg3[%swap3A, %swap3A_15], %mul3A_14 {strides = array<i32>} : memref<1000x128xf32, #tpu.memory_space<vmem>>, vector<1000x128xf32>,
    return
  }
  func.func @transform_0(%arg0: i32) -> (i32, i32, i32) {
    %c0_i32 = arith.constant 0 : i32
    %c0_i32_0 = arith.constant 0 : i32
    %c0_i32_1 = arith.constant 0 : i32
    return %c0_i32, %arg0, %c0_i32_0 : i32, i32, i32
  }
  func.func @transform_1(%arg0: i32) -> (i32, i32) {
    %c0_i32 = arith.constant 0 : i32
    %c0_i32_0 = arith.constant 0 : i32
    return %arg0, %c0_i32 : i32, i32
  }
  func.func @transform_2(%arg0: i32) -> (i32, i32) {
    %c0_i32 = arith.constant 0 : i32
    %c0_i32_0 = arith.constant 0 : i32
    return %arg0, %c0_i32 : i32, i32
  }
}

module attributes {stable_mosaic.version = 14 : i64} {
  func.func @_out_body(%arg0: i32, %arg1: memref<2x1000x128xf32, #tpu.memory_space<vmem>>, %arg2: memref<2x1000x1xf32, #tpu.memory_space<vmem>>, %arg3: memref<128x128xf32, #tpu.memory_space<vmem>>, %arg4: memref<128xf32, #tpu.memory_space<vmem>>, %arg5: memref<128x128xf32, #tpu.memory_space<vmem>>, %arg6: memref<128xf32, #tpu.memory_space<vmem>>, %arg7: memref<1000x128xf32, #tpu.memory_space<vmem>>) attributes {dimension_semantics = [#tpu.dimension_semantics<arbitrary>], iteration_bounds = array<i64: 10>, scalar_prefetch = 0 : i64, scratch_operands = 0 : i64, tpu.core_type = #tpu.core_type<tc>, window_params = [{transform_indices = @transform_0, window_bounds = array<i64: 2, 1000, 128>}, {transform_indices = @transform_1, window_bounds = array<i64: 2, 1000, 1>}, {pipeline_mode = #tpu.pipeline_mode<synchronous>, transform_indices = @transform_2, window_bounds = array<i64: 128, 128>}, {pipeline_mode = #tpu.pipeline_mode<synchronous>, transform_indices = @transform_3, window_bounds = array<i64: 128>}, {pipeline_mode = #tpu.pipeline_mode<synchronous>, transform_indices = @transform_4, window_bounds = array<i64: 128, 128>}, {pipeline_mode = #tpu.pipeline_mode<synchronous>, transform_indices = @transform_5, window_bounds = array<i64: 128>}, {transform_indices = @transform_6, window_bounds = array<i64: 1000, 128>}]} {
    %get3A = arith.constant 0 : index
    %get3A_0 = arith.constant 0 : index
    %get3A_1 = arith.constant 0 : index
    %get3A_2 = vector.load %arg1[%get3A, %get3A_0, %get3A_1] : memref<2x1000x128xf32, #tpu.memory_space<vmem>>, vector<1x1000x128xf32>
    %get3A_3 = vector.shape_cast %get3A_2 : vector<1x1000x128xf32> to vector<1000x128xf32>
    %get3A_4 = arith.constant 1 : index
    %get3A_5 = arith.constant 0 : index
    %get3A_6 = arith.constant 0 : index
    %get3A_7 = vector.load %arg1[%get3A_4, %get3A_5, %get3A_6] : memref<2x1000x128xf32, #tpu.memory_space<vmem>>, vector<1x1000x128xf32>
    %get3A_8 = vector.shape_cast %get3A_7 : vector<1x1000x128xf32> to vector<1000x128xf32>
    %add3A = arith.addf %get3A_3, %get3A_8 : vector<1000x128xf32>
    %get3A_9 = arith.constant 0 : index
    %get3A_10 = arith.constant 0 : index
    %get3A_11 = arith.constant 0 : index
    %get3A_12 = vector.load %arg2[%get3A_9, %get3A_10, %get3A_11] : memref<2x1000x1xf32, #tpu.memory_space<vmem>>, vector<1x1000x1xf32>
    %get3A_13 = vector.shape_cast %get3A_12 : vector<1x1000x1xf32> to vector<1000x1xf32>
    %get3A_14 = arith.constant 1 : index
    %get3A_15 = arith.constant 0 : index
    %get3A_16 = arith.constant 0 : index
    %get3A_17 = vector.load %arg2[%get3A_14, %get3A_15, %get3A_16] : memref<2x1000x1xf32, #tpu.memory_space<vmem>>, vector<1x1000x1xf32>
    %get3A_18 = vector.shape_cast %get3A_17 : vector<1x1000x1xf32> to vector<1000x1xf32>
    %add3A_19 = arith.addf %get3A_13, %get3A_18 : vector<1000x1xf32>
    %max3A = arith.constant 1.000000e+00 : f32
    %max3A_20 = vector.broadcast %max3A : f32 to vector<1000x1xf32>
    %max3A_21 = arith.maximumf %add3A_19, %max3A_20 : vector<1000x1xf32>
    %rsqrt3A = math.rsqrt %max3A_21 : vector<1000x1xf32>
    %mul3A = vector.broadcast %rsqrt3A : vector<1000x1xf32> to vector<1000x128xf32>
    %mul3A_22 = arith.mulf %add3A, %mul3A : vector<1000x128xf32>
    %get3A_23 = arith.constant 0 : index
    %get3A_24 = arith.constant 0 : index
    %get3A_25 = vector.load %arg3[%get3A_23, %get3A_24] : memref<128x128xf32, #tpu.memory_space<vmem>>, vector<128x128xf32>
    %dot_general3A = arith.constant dense<0.000000e+00> : vector<1000x128xf32>
    %dot_general3A_26 = tpu.matmul %mul3A_22, %get3A_25, %dot_general3A {dimension_numbers = #tpu.dot_dimension_numbers<[1], [0], [0], [1], [0, 0, 1, 1], [], []>, transpose_lhs_hint = false} : vector<1000x128xf32>, vector<128x128xf32>, vector<1000x128xf32> -> vector<1000x128xf32>
    %get3A_27 = arith.constant 0 : index
    %get3A_28 = vector.load %arg4[%get3A_27] : memref<128xf32, #tpu.memory_space<vmem>>, vector<128xf32>
    %broadcast_in_dim3A = vector.shape_cast %get3A_28 : vector<128xf32> to vector<1x128xf32>
    %add3A_29 = vector.broadcast %broadcast_in_dim3A : vector<1x128xf32> to vector<1000x128xf32>
    %add3A_30 = arith.addf %dot_general3A_26, %add3A_29 : vector<1000x128xf32>
    %max3A_31 = arith.constant 0.000000e+00 : f32
    %max3A_32 = vector.broadcast %max3A_31 : f32 to vector<1000x128xf32>
    %max3A_33 = arith.maximumf %add3A_30, %max3A_32 : vector<1000x128xf32>
    %get3A_34 = arith.constant 0 : index
    %get3A_35 = arith.constant 0 : index
    %get3A_36 = vector.load %arg5[%get3A_34, %get3A_35] : memref<128x128xf32, #tpu.memory_space<vmem>>, vector<128x128xf32>
    %dot_general3A_37 = arith.constant dense<0.000000e+00> : vector<1000x128xf32>
    %dot_general3A_38 = tpu.matmul %max3A_33, %get3A_36, %dot_general3A_37 {dimension_numbers = #tpu.dot_dimension_numbers<[1], [0], [0], [1], [0, 0, 1, 1], [], []>, transpose_lhs_hint = false} : vector<1000x128xf32>, vector<128x128xf32>, vector<1000x128xf32> -> vector<1000x128xf32>
    %get3A_39 = arith.constant 0 : index
    %get3A_40 = vector.load %arg6[%get3A_39] : memref<128xf32, #tpu.memory_space<vmem>>, vector<128xf32>
    %broadcast_in_dim3A_41 = vector.shape_cast %get3A_40 : vector<128xf32> to vector<1x128xf32>
    %add3A_42 = vector.broadcast %broadcast_in_dim3A_41 : vector<1x128xf32> to vector<1000x128xf32>
    %add3A_43 = arith.addf %dot_general3A_38, %add3A_42 : vector<1000x128xf32>
    %swap3A = arith.constant 0 : index
    %swap3A_44 = arith.constant 0 : index
    %swap3A_45 = vector.load %arg7[%swap3A, %swap3A_44] : memref<1000x128xf32, #tpu.memory_space<vmem>>, vector<1000x128xf32>
    tpu.vector_store %arg7[%swap3A, %swap3A_44], %add3A_43 {strides = array<i32>} : memref<1000x128xf32, #tpu.memory_space<vmem>>, vector<1000x128xf32>,
    return
  }
  func.func @transform_0(%arg0: i32) -> (i32, i32, i32) {
    %c0_i32 = arith.constant 0 : i32
    %c0_i32_0 = arith.constant 0 : i32
    %c0_i32_1 = arith.constant 0 : i32
    return %c0_i32, %arg0, %c0_i32_0 : i32, i32, i32
  }
  func.func @transform_1(%arg0: i32) -> (i32, i32, i32) {
    %c0_i32 = arith.constant 0 : i32
    %c0_i32_0 = arith.constant 0 : i32
    %c0_i32_1 = arith.constant 0 : i32
    return %c0_i32, %arg0, %c0_i32_0 : i32, i32, i32
  }
  func.func @transform_2(%arg0: i32) -> (i32, i32) {
    %c0_i32 = arith.constant 0 : i32
    %c0_i32_0 = arith.constant 0 : i32
    %c0_i32_1 = arith.constant 0 : i32
    return %c0_i32, %c0_i32_0 : i32, i32
  }
  func.func @transform_3(%arg0: i32) -> i32 {
    %c0_i32 = arith.constant 0 : i32
    %c0_i32_0 = arith.constant 0 : i32
    return %c0_i32 : i32
  }
  func.func @transform_4(%arg0: i32) -> (i32, i32) {
    %c0_i32 = arith.constant 0 : i32
    %c0_i32_0 = arith.constant 0 : i32
    %c0_i32_1 = arith.constant 0 : i32
    return %c0_i32, %c0_i32_0 : i32, i32
  }
  func.func @transform_5(%arg0: i32) -> i32 {
    %c0_i32 = arith.constant 0 : i32
    %c0_i32_0 = arith.constant 0 : i32
    return %c0_i32 : i32
  }
  func.func @transform_6(%arg0: i32) -> (i32, i32) {
    %c0_i32 = arith.constant 0 : i32
    %c0_i32_0 = arith.constant 0 : i32
    return %arg0, %c0_i32 : i32, i32
  }
}

</mosaic_0001>

<sc_bundles>
// kernel: kernel.6.cloned.1.call-start
scs
__scs_entry_jumppad:
0x0: {  	(pc) =	sbr.rel $0x88, $3  }
0x1: {  	(tag) =	ssettag $0x0;
	lr =	simm.s32 $0x1  }
0x2: {  	[smem:$0x3F9B] =	sst lr;
	_ =	strace $0xD0000000  }
0x3: {  	_ = 	snop  }
0x4: {  	_ = 	snop  }
0x5: {  	_ = 	snop  }
0x6: {  	_ = 	snop  }
0x7: {  	_ = 	snop  }
__scs_overlays_trampoline_lowered:
0x8: {  	[smem:$0x3FAA] =	sst s0  }
0x9: {  	[smem:$0x3FAB] =	sst s1  }
0xa: {  	[smem:$0x3FAC] =	sst s2  }
0xb: {  	[smem:$0x3FAD] =	sst s3  }
0xc: {  	[smem:$0x3FAE] =	sst s4  }
0xd: {  	[smem:$0x3FAF] =	sst s5  }
0xe: {  	[smem:$0x3FB0] =	sst s6  }
0xf: {  	[smem:$0x3FB1] =	sst s7  }
0x10: {  	[smem:$0x3FB2] =	sst s8  }
0x11: {  	[smem:$0x3FB3] =	sst s9;
	s0 =	simm.s32 @!p0 $0x0  }
0x12: {  	s1 =	sld [smem:$0x3F99];
	s0 =	simm.s32 @p0 $0x1  }
0x13: {  	[smem:$0x3FB4] =	sst s0;
	s0 =	simm.s32 @!p1 $0x0  }
0x14: {  	s2 =	sld [smem:$0x3F98];
	s0 =	simm.s32 @p1 $0x1  }
0x15: {  	[smem:$0x3FB5] =	sst s0;
	s0 =	simm.s32 @!p2 $0x0  }
0x16: {  	s3 =	sld [smem:$0x3FDB];
	s0 =	simm.s32 @p2 $0x1  }
0x17: {  	s4 =	simm.s32 $0x1BF5;
	[smem:$0x3FB7] =	sst s0  }
0x18: {  	s0 =	sld [smem:$0x3F9A];
	_ =	swait.ge [sflag:s4], $0x0  }
0x19: {  	s7 =	sld [smem:$0x3F9B]  }
0x1a: {  	s8 =	sadd.s32 $0xFFFFE003, lr  }
0x1b: {  	s9 =	sadd.s32 $0xFFFFFEF7, lr;
	s5 =	simm.s32 $0xFFFFFFFF;
	p2 =	slt.u32 s8, $0xFFFFF086  }
0x1c: {  	p1 =	slt.u32 s9, $0xF7A;
	s5 =	simm.s32 @!p2 $0x0  }
0x1d: {  	s5 =	simm.s32 @p1 $0x1;
	p0 =	seq.s32 s7, s2  }
0x1e: {  	s7 =	smul.u32 @!p0 $0xF7A, s2;
	p2 =	seq.s32 @!p0 s5, $0x0  }
0x1f: {  	s9 =	smul.u32 $0xF7A, s1;
	s8 =	simm.s32 @!p0 $0x1BF5;
	p2 =	por !p2, p0  }
0x20: {  	[sflag:s8] =	ssyncset.s32 @!p0 $0xFFFFF086;
	s6 =	sadd.s32 @!p0 s3, s7;
	s7 =	simm.s32 @!p0 $0x108  }
0x21: {  	s3 =	sadd.s32 s3, s9;
	s6 =	sadd.s32 @!p0 $0x88, s6;
	s7 =	simm.s32 @p2 $0x1082  }
0x22: {  	[simem:s7], [sflag:s8] =	dma.local @!p0 [hbm:s6], $0xF7A  }
0x23: {  	s9 =	sor.u32 $0xD0000000, s2;
	s6 =	simm.s32 $0x108;
	_ =	swait.ge @!p0 [sflag:s8], $0x0  }
0x24: {  	s3 =	sadd.s32 $0x88, s3;
	s6 =	simm.s32 @!p1 $0x1082;
	[sflag:s4] =	ssyncset.s32 $0xFFFFF086  }
0x25: {  	[simem:s6], [sflag:s4] =	dma.local [hbm:s3], $0xF7A  }
0x26: {  	[smem:$0x3F9B] =	sst s1;
	(tag) =	ssettag s2;
	_ =	strace s9  }
0x27: {  	s1 =	sld [smem:$0x3FAB]  }
0x28: {  	s2 =	sld [smem:$0x3FAC]  }
0x29: {  	s4 =	sld [smem:$0x3FAE]  }
0x2a: {  	p0 =	seq.s32 s5, $0x0;
	s5 =	sld [smem:$0x3FAF]  }
0x2b: {  	s6 =	sld [smem:$0x3FB0]  }
0x2c: {  	s7 =	sld [smem:$0x3FB1]  }
0x2d: {  	s3 =	simm.s32 $0x108;
	s8 =	sld [smem:$0x3FB2]  }
0x2e: {  	s3 =	simm.s32 @!p0 $0x1082;
	s9 =	sld [smem:$0x3FB3]  }
0x2f: {  	lr =	sadd.s32 s0, s3;
	s0 =	sld [smem:$0x3FAA]  }
0x30: {  	s3 =	sld [smem:$0x3FAD]  }
0x31: {  	[smem:$0x3FB6] =	sst s10  }
0x32: {  	s10 =	sld [smem:$0x3FB4];
	_ =	sdelay $0x3  }
0x33: {  	p0 =	seq.s32 s10, $0x1;
	s10 =	sld [smem:$0x3FB6];
	_ =	sdelay $0x3  }
0x34: {  	[smem:$0x3FB6] =	sst s10  }
0x35: {  	s10 =	sld [smem:$0x3FB5];
	_ =	sdelay $0x3  }
0x36: {  	p1 =	seq.s32 s10, $0x1;
	s10 =	sld [smem:$0x3FB6];
	_ =	sdelay $0x3  }
0x37: {  	[smem:$0x3FB6] =	sst s10  }
0x38: {  	s10 =	sld [smem:$0x3FB7]  }
0x39: {  	_ = 	snop;
	(pc) =	sbr.ind lr, $3  }
0x3a: {  	_ = 	snop  }
0x3b: {  	_ = 	snop  }
0x3c: {  	p2 =	seq.s32 s10, $0x1;
	s10 =	sld [smem:$0x3FB6]  }
0x3d: {  	_ =	shalt  }
0x3e: {  	_ =	shalt  }
0x3f: {  	_ =	shalt  }
0x40: {  	_ =	shalt  }
0x41: {  	_ =	shalt  }
0x42: {  	_ =	shalt  }
0x43: {  	_ =	shalt  }
0x44: {  	_ =	shalt  }
0x45: {  	_ =	shalt  }
0x46: {  	_ =	shalt  }
0x47: {  	_ =	shalt  }
0x48: {  	_ =	shalt  }
0x49: {  	_ =	shalt  }
0x4a: {  	_ =	shalt  }
0x4b: {  	_ =	shalt  }
0x4c: {  	_ =	shalt  }
0x4d: {  	_ =	shalt  }
0x4e: {  	_ =	shalt  }
0x4f: {  	_ =	shalt  }
0x50: {  	_ =	shalt  }
0x51: {  	_ =	shalt  }
0x52: {  	_ =	shalt  }
0x53: {  	_ =	shalt  }
0x54: {  	_ =	shalt  }
0x55: {  	_ =	shalt  }
0x56: {  	_ =	shalt  }
0x57: {  	_ =	shalt  }
0x58: {  	_ =	shalt  }
0x59: {  	_ =	shalt  }
0x5a: {  	_ =	shalt  }
0x5b: {  	_ =	shalt  }
0x5c: {  	_ =	shalt  }
0x5d: {  	_ =	shalt  }
0x5e: {  	_ =	shalt  }
0x5f: {  	_ =	shalt  }
0x60: {  	_ =	shalt  }
0x61: {  	_ =	shalt  }
0x62: {  	_ =	shalt  }
0x63: {  	_ =	shalt  }
0x64: {  	_ =	shalt  }
0x65: {  	_ =	shalt  }
0x66: {  	_ =	shalt  }
0x67: {  	_ =	shalt  }
0x68: {  	_ =	shalt  }
0x69: {  	_ =	shalt  }
0x6a: {  	_ =	shalt  }
0x6b: {  	_ =	shalt  }
0x6c: {  	_ =	shalt  }
0x6d: {  	_ =	shalt  }
0x6e: {  	_ =	shalt  }
0x6f: {  	_ =	shalt  }
0x70: {  	_ =	shalt  }
0x71: {  	_ =	shalt  }
0x72: {  	_ =	shalt  }
0x73: {  	_ =	shalt  }
0x74: {  	_ =	shalt  }
0x75: {  	_ =	shalt  }
0x76: {  	_ =	shalt  }
0x77: {  	_ =	shalt  }
0x78: {  	_ =	shalt  }
0x79: {  	_ =	shalt  }
0x7a: {  	_ =	shalt  }
0x7b: {  	_ =	shalt  }
0x7c: {  	_ =	shalt  }
0x7d: {  	_ =	shalt  }
0x7e: {  	_ =	shalt  }
0x7f: {  	_ =	shalt  }
0x80: {  	_ =	shalt  }
0x81: {  	_ =	shalt  }
0x82: {  	_ =	shalt  }
0x83: {  	_ =	shalt  }
0x84: {  	_ =	shalt  }
0x85: {  	_ =	shalt  }
0x86: {  	_ =	shalt  }
0x87: {  	_ =	shalt  }
.Lfunc_end0:
.L_simem_size_0:
called_computation_lowered:
.L_overlay_start_0:
0x88: {  	s2 =	sld [smem:$0x3FD9]  }
0x89: {  	s3 =	sld [smem:$0x3FFE];
	_ =	sdelay $0x1  }
0x8a: {  	s1 =	srdreg.scid  }
0x8b: {  	s0 =	sand.u32 $0x1, s1  }
0x8c: {  	s17 =	sshll.u32 s0, $0xA;
	s2 =	sadd.s32 s3, s2  }
0x8d: {  	s2 =	sadd.s32 s2, s17  }
0x8e: {  	[smem:$0x3FC2] =	sst s2  }
0x8f: {  	_ = 	snop  }
0x90: {  	s2 =	sld [smem:$0x3FD0];
	(tm) =	ssettm $0x1  }
0x91: {  	s18 =	sld [smem:$0x3FFB];
	_ =	sdelay $0x3  }
0x92: {  	_ =	strace s18  }
0x93: {  	s3 =	sld [smem:$0x3FFC];
	_ =	sdelay $0x3  }
0x94: {  	_ =	strace s3  }
0x95: {  	s3 =	sld [smem:$0x3FFD];
	_ =	sdelay $0x3  }
0x96: {  	_ =	strace s3  }
0x97: {  	_ =	strace $0x8FFFFFFF  }
0x98: {  	s19 =	sld [smem:$0x3FDB];
	_ =	sdelay $0x1  }
0x99: {  	s4 =	simm.s32 $_scs_section_size  }
0x9a: {  	s5 =	simm.s32 $_size__tile_overlayer_lowered;
	s6 =	simm.s32 $_tile_overlayer_lowered  }
0x9b: {  	s22 =	simm.s32 $0x1BFF;
	s21 =	sshll.u32 s6, $0x1;
	s3 =	sadd.s32 s4, s19  }
0x9c: {  	s7 =	simm.s32 $0x0;
	s20 =	sshll.u32 s5, $0x1;
	s5 =	sadd.s32 s21, s3  }
0x9d: {  	[timem:s7], [sflag:s22] =	dma.local [hbm:s5], s20  }
0x9e: {  	_ =	swait.ge [sflag:s22], s20  }
0x9f: {  	s4 =	ssub.s32 $0x0, s20;
	[sflag:s22] =	ssyncset.done $0x0  }
0xa0: {  	[sflag:s22] =	ssyncadd.s32 s4;
	_ =	sdelay $0x1  }
0xa1: {  	s23 =	simm.s32 $0x1B8B  }
0xa2: {  	_ =	swait.ge [sflag:s23], $0x1  }
0xa3: {  	[sflag:s23] =	ssyncset.done $0x0  }
0xa4: {  	s25 =	simm.s32 $0x1B8E;
	s24 =	sld [smem:$0x3FFE];
	[sflag:s23] =	ssyncadd.s32 $0xFFFFFFFF  }
0xa5: {  	s26 =	simm.s32 $execute0_lowered;
	[smem:$0x3FD2] =	sst s25  }
0xa6: {  	s5 =	sshll.u32 s26, $0x1;
	_ =	strace $0x80000046;
	[dreg:$0x1] =	wrdreg $0xFFFFFFFF  }
0xa7: {  	s28 =	simm.s32 $_size_execute0_lowered;
	s3 =	sadd.s32 s3, s5;
	[dreg:$0x0] =	wrdreg $0x0  }
0xa8: {  	s5 =	sshll.u32 s28, $0x1;
	[dreg:$0x2] =	wrdreg s3  }
0xa9: {  	[dreg:$0x3] =	wrdreg s5  }
0xaa: {  	[dreg:$0x4] =	wrdreg $0xC0  }
0xab: {  	_ =	task [dreg:s7], $0x5FFFF  }
0xac: {  	[dreg:$0x1] =	wrdreg $0xFFFFFFFF  }
0xad: {  	[dreg:$0x0] =	wrdreg $0x60  }
0xae: {  	[dreg:$0x2] =	wrdreg s2  }
0xaf: {  	[dreg:$0x3] =	wrdreg s24  }
0xb0: {  	[dreg:$0x4] =	wrdreg $0x28800  }
0xb1: {  	[dreg:$0x5] =	wrdreg $0x9  }
0xb2: {  	_ =	task.clear_ibuf [dreg:s7], $0x6FFFF;
	_ =	strace $0x90000046  }
0xb3: {  	s29 =	simm.s32 $0x9;
	_ =	strace $0x80000048  }
0xb4: {  	_ =	swait.ge [sflag:s29], $0x1  }
0xb5: {  	[sflag:s29] =	ssyncadd.s32 $0xFFFFFFFF  }
0xb6: {  	_ =	strace $0x90000048  }
0xb7: {  	_ =	sfence  }
0xb8: {  	s30 =	sld [smem:$0x0];
	_ =	sdelay $0x2  }
0xb9: {  	s31 =	sshll.u32 s1, $0xD;
	s1 =	sshrl.u32 s1, $0x2  }
0xba: {  	s3 =	sand.u32 $0x4000, s31;
	s1 =	sadd.s32 s1, s30  }
0xbb: {  	s0 =	sor.u32 s3, s0;
	s1 =	sshll.u32 s1, $0x11  }
0xbc: {  	s0 =	sor.u32 s1, s0  }
0xbd: {  	s0 =	sadd.s32 $0x8F2B, s0  }
0xbe: {  	[sflag:s0] =	ssyncadd.remote.s32 $0x1  }
0xbf: {  	_ =	sfence.sel $0xFFFF  }
0xc0: {  	[dreg:$0x0] =	wrdreg $0xFFFFFFFF;
	(pc) =	sbr.abs _section_cstart, $3  }
0xc1: {  	[dreg:$0x1] =	wrdreg $0xFFFFFFFF  }
0xc2: {  	_ =	task.clear_ibuf [dreg:s7], $0x2FFFF;
	_ =	strace $0x9FFFFFFF  }
0xc3: {  	(tm) =	ssettm $0x7FFFFFFF  }
tec
execute0_lowered:
.L_overlay_start_1:
0x0: {  	(tag) =	ssettag $0x1  }
0x1: {  	s0 =	rddreg [dreg:$0x0]  }
0x2: {  	s2 =	rddreg [dreg:$0x1]  }
0x3: {  	s1 =	rddreg [dreg:$0x2];
	s3 =	simm.s32 $0x0  }
0x4: {  	s4 =	srdreg.scid;
	s10 =	stileid.u32;
	s13 =	simm.s32 $0x2800  }
0x5: {  	s14 =	simm.s32 $0x2;
	s15 =	simm.s32 $0x1;
	s16 =	simm.s32 $0x80  }
0x6: {  	s21 =	simm.s32 $0x2280;
	s22 =	simm.s32 $0x2300;
	s28 =	simm.s32 $0x2500  }
0x7: {  	s29 =	simm.s32 $0x2580;
	s30 =	simm.s32 $0x2600;
	s31 =	simm.s32 $0x2680  }
0x8: {  	s17 =	simm.s32 $0x20;
	s18 =	simm.s32 $0x10;
	s19 =	simm.s32 $0x0  }
0x9: {  	[smem:$0x7FF] =	sst s3;
	s5 =	sand.u32 $0x1, s4;
	s6 =	smul.u32 $0x500, s10  }
0xa: {  	s4 =	sadd.s32 $0x15800, s2;
	s24 =	smul.u32 $0xA00, s10;
	_ =	strace $0x80000047  }
0xb: {  	s7 =	sshll.u32 s5, $0x7;
	s8 =	sshll.u32 s5, $0x4;
	s9 =	ssub.s32 $0x2, s5  }
0xc: {  	s5 =	sadd.s32 $0x15600, s2;
	s6 =	sor.u32 s7, s6;
	s23 =	sor.u32 s10, s8  }
0xd: {  	s25 =	sshrl.u32 s9, $0x1;
	s26 =	sshrl.u32 s24, $0x2;
	s24 =	simm.s32 $0x2380  }
0xe: {  	s6 =	sshrl.u32 s6, $0x3;
	s7 =	smul.u32 $0x2800, s23;
	s11 =	ssub.s32 s9, s25  }
0xf: {  	s12 =	sadd.s32 s26, s1;
	s23 =	simm.s32 $0x1400;
	s25 =	simm.s32 $0x2400  }
0x10: {  	s26 =	simm.s32 $0x2480;
	s2 =	sadd.s32 s6, s2;
	s6 =	sshll.u32 s10, $0x6  }
0x11: {  	s11 =	smax.u32 s11, $0x1;
	s12 =	sshrl.u32 s12, $0x3;
	s7 =	sshrl.u32 s7, $0x3  }
0x12: {  	s8 =	sor.u32 $0x1C01, s6;
	s10 =	sadd.s32 $0x15A00, s2;
	s7 =	sadd.s32 s0, s7  }
0x13: {  	s2 =	simm.s32 $0x2780;
	s0 =	simm.s32 $0x2700;
	s9 =	sadd.s32 $0x280, s7  }
.LBB2_1:
0x14: {  	[spmem:s12], [sflag:s8] =	dma.local [hbm:s4], $0x50  }
0x15: {  	[tilespmem:s13], [sflag:$0x2] =	stream.linear.gather [hbm4b:s5+s3], $0x80, $0x38;
	[tilespmem:$0x2B00] =	vst v63  }
0x16: {  	_ =	swait.ge [sflag:s14], $0x80  }
0x17: {  	[sflag:s14] =	ssyncset.done $0x0  }
0x18: {  	[sflag:s14] =	ssyncadd.s32 $0xFFFFFF80  }
0x19: {  	[tilespmem:s3], [sflag:$0x2] =	stream.linear.gather [hbm4b:s7+s3], $0x1400, $0x38;
	[tilespmem:$0x2B00] =	vst v63  }
0x1a: {  	_ =	swait.ge [sflag:s14], $0x1400  }
0x1b: {  	[sflag:s14] =	ssyncset.done $0x0  }
0x1c: {  	[sflag:s14] =	ssyncadd.s32 $0xFFFFEC00  }
0x1d: {  	_ =	swait.ge [sflag:s15], $0x50  }
0x1e: {  	[sflag:s15] =	ssyncset.done $0x0  }
0x1f: {  	[sflag:s15] =	ssyncadd.s32 $0xFFFFFFB0  }
0x20: {  	[bflag:$0x0] =	sbarrier.arrive $0xFFFF  }
0x21: {  	[spmem:s1] =	stream.indirect.scatter.add.f32 [tilespmem:s13], [sflag:$0x1], $0x1, s3, s16, $0xb8;
	[tilespmem:$0x2B00] =	vst v63  }
0x22: {  	_ = 	snop  }
0x23: {  	[spmem:s1] =	stream.indirect.scatter.add.f32 [tilespmem:s13], [sflag:$0x1], $0x1, s16, s16, $0xb8;
	[tilespmem:$0x2B00] =	vst v63  }
0x24: {  	s20 =	simm.s32 $0x100  }
0x25: {  	[spmem:s1] =	stream.indirect.scatter.add.f32 [tilespmem:s13], [sflag:$0x1], $0x1, s20, s16, $0xb8;
	[tilespmem:$0x2B00] =	vst v63  }
0x26: {  	s20 =	simm.s32 $0x180  }
0x27: {  	[spmem:s1] =	stream.indirect.scatter.add.f32 [tilespmem:s13], [sflag:$0x1], $0x1, s20, s16, $0xb8;
	[tilespmem:$0x2B00] =	vst v63  }
0x28: {  	s20 =	simm.s32 $0x200  }
0x29: {  	[spmem:s1] =	stream.indirect.scatter.add.f32 [tilespmem:s13], [sflag:$0x1], $0x1, s20, s16, $0xb8;
	[tilespmem:$0x2B00] =	vst v63  }
0x2a: {  	s20 =	simm.s32 $0x280  }
0x2b: {  	[spmem:s1] =	stream.indirect.scatter.add.f32 [tilespmem:s13], [sflag:$0x1], $0x1, s20, s16, $0xb8;
	[tilespmem:$0x2B00] =	vst v63  }
0x2c: {  	s20 =	simm.s32 $0x300  }
0x2d: {  	[spmem:s1] =	stream.indirect.scatter.add.f32 [tilespmem:s13], [sflag:$0x1], $0x1, s20, s16, $0xb8;
	[tilespmem:$0x2B00] =	vst v63  }
0x2e: {  	s20 =	simm.s32 $0x380  }
0x2f: {  	[spmem:s1] =	stream.indirect.scatter.add.f32 [tilespmem:s13], [sflag:$0x1], $0x1, s20, s16, $0xb8;
	[tilespmem:$0x2B00] =	vst v63  }
0x30: {  	s20 =	simm.s32 $0x400  }
0x31: {  	[spmem:s1] =	stream.indirect.scatter.add.f32 [tilespmem:s13], [sflag:$0x1], $0x1, s20, s16, $0xb8;
	[tilespmem:$0x2B00] =	vst v63  }
0x32: {  	s20 =	simm.s32 $0x480  }
0x33: {  	[spmem:s1] =	stream.indirect.scatter.add.f32 [tilespmem:s13], [sflag:$0x1], $0x1, s20, s16, $0xb8;
	[tilespmem:$0x2B00] =	vst v63  }
0x34: {  	s20 =	simm.s32 $0x500  }
0x35: {  	[spmem:s1] =	stream.indirect.scatter.add.f32 [tilespmem:s13], [sflag:$0x1], $0x1, s20, s16, $0xb8;
	[tilespmem:$0x2B00] =	vst v63  }
0x36: {  	s20 =	simm.s32 $0x580  }
0x37: {  	[spmem:s1] =	stream.indirect.scatter.add.f32 [tilespmem:s13], [sflag:$0x1], $0x1, s20, s16, $0xb8;
	[tilespmem:$0x2B00] =	vst v63  }
0x38: {  	s20 =	simm.s32 $0x600  }
0x39: {  	[spmem:s1] =	stream.indirect.scatter.add.f32 [tilespmem:s13], [sflag:$0x1], $0x1, s20, s16, $0xb8;
	[tilespmem:$0x2B00] =	vst v63  }
0x3a: {  	s20 =	simm.s32 $0x680  }
0x3b: {  	[spmem:s1] =	stream.indirect.scatter.add.f32 [tilespmem:s13], [sflag:$0x1], $0x1, s20, s16, $0xb8;
	[tilespmem:$0x2B00] =	vst v63  }
0x3c: {  	s20 =	simm.s32 $0x700  }
0x3d: {  	[spmem:s1] =	stream.indirect.scatter.add.f32 [tilespmem:s13], [sflag:$0x1], $0x1, s20, s16, $0xb8;
	[tilespmem:$0x2B00] =	vst v63  }
0x3e: {  	s20 =	simm.s32 $0x780  }
0x3f: {  	[spmem:s1] =	stream.indirect.scatter.add.f32 [tilespmem:s13], [sflag:$0x1], $0x1, s20, s16, $0xb8;
	[tilespmem:$0x2B00] =	vst v63  }
0x40: {  	s20 =	simm.s32 $0x800  }
0x41: {  	[spmem:s1] =	stream.indirect.scatter.add.f32 [tilespmem:s13], [sflag:$0x1], $0x1, s20, s16, $0xb8;
	[tilespmem:$0x2B00] =	vst v63  }
0x42: {  	s20 =	simm.s32 $0x880  }
0x43: {  	[spmem:s1] =	stream.indirect.scatter.add.f32 [tilespmem:s13], [sflag:$0x1], $0x1, s20, s16, $0xb8;
	[tilespmem:$0x2B00] =	vst v63  }
0x44: {  	s20 =	simm.s32 $0x900  }
0x45: {  	[spmem:s1] =	stream.indirect.scatter.add.f32 [tilespmem:s13], [sflag:$0x1], $0x1, s20, s16, $0xb8;
	[tilespmem:$0x2B00] =	vst v63  }
0x46: {  	s20 =	simm.s32 $0x980  }
0x47: {  	[spmem:s1] =	stream.indirect.scatter.add.f32 [tilespmem:s13], [sflag:$0x1], $0x1, s20, s16, $0xb8;
	[tilespmem:$0x2B00] =	vst v63  }
0x48: {  	s20 =	simm.s32 $0xA00  }
0x49: {  	[spmem:s1] =	stream.indirect.scatter.add.f32 [tilespmem:s13], [sflag:$0x1], $0x1, s20, s16, $0xb8;
	[tilespmem:$0x2B00] =	vst v63  }
0x4a: {  	s20 =	simm.s32 $0xA80  }
0x4b: {  	[spmem:s1] =	stream.indirect.scatter.add.f32 [tilespmem:s13], [sflag:$0x1], $0x1, s20, s16, $0xb8;
	[tilespmem:$0x2B00] =	vst v63  }
0x4c: {  	s20 =	simm.s32 $0xB00  }
0x4d: {  	[spmem:s1] =	stream.indirect.scatter.add.f32 [tilespmem:s13], [sflag:$0x1], $0x1, s20, s16, $0xb8;
	[tilespmem:$0x2B00] =	vst v63  }
0x4e: {  	s20 =	simm.s32 $0xB80  }
0x4f: {  	[spmem:s1] =	stream.indirect.scatter.add.f32 [tilespmem:s13], [sflag:$0x1], $0x1, s20, s16, $0xb8;
	[tilespmem:$0x2B00] =	vst v63  }
0x50: {  	s20 =	simm.s32 $0xC00  }
0x51: {  	[spmem:s1] =	stream.indirect.scatter.add.f32 [tilespmem:s13], [sflag:$0x1], $0x1, s20, s16, $0xb8;
	[tilespmem:$0x2B00] =	vst v63  }
0x52: {  	s20 =	simm.s32 $0xC80  }
0x53: {  	[spmem:s1] =	stream.indirect.scatter.add.f32 [tilespmem:s13], [sflag:$0x1], $0x1, s20, s16, $0xb8;
	[tilespmem:$0x2B00] =	vst v63  }
0x54: {  	s20 =	simm.s32 $0xD00  }
0x55: {  	[spmem:s1] =	stream.indirect.scatter.add.f32 [tilespmem:s13], [sflag:$0x1], $0x1, s20, s16, $0xb8;
	[tilespmem:$0x2B00] =	vst v63  }
0x56: {  	s20 =	simm.s32 $0xD80  }
0x57: {  	[spmem:s1] =	stream.indirect.scatter.add.f32 [tilespmem:s13], [sflag:$0x1], $0x1, s20, s16, $0xb8;
	[tilespmem:$0x2B00] =	vst v63  }
0x58: {  	s20 =	simm.s32 $0xE00  }
0x59: {  	[spmem:s1] =	stream.indirect.scatter.add.f32 [tilespmem:s13], [sflag:$0x1], $0x1, s20, s16, $0xb8;
	[tilespmem:$0x2B00] =	vst v63  }
0x5a: {  	s20 =	simm.s32 $0xE80  }
0x5b: {  	[spmem:s1] =	stream.indirect.scatter.add.f32 [tilespmem:s13], [sflag:$0x1], $0x1, s20, s16, $0xb8;
	[tilespmem:$0x2B00] =	vst v63  }
0x5c: {  	s20 =	simm.s32 $0xF00  }
0x5d: {  	[spmem:s1] =	stream.indirect.scatter.add.f32 [tilespmem:s13], [sflag:$0x1], $0x1, s20, s16, $0xb8;
	[tilespmem:$0x2B00] =	vst v63  }
0x5e: {  	s20 =	simm.s32 $0xF80  }
0x5f: {  	[spmem:s1] =	stream.indirect.scatter.add.f32 [tilespmem:s13], [sflag:$0x1], $0x1, s20, s16, $0xb8;
	[tilespmem:$0x2B00] =	vst v63  }
0x60: {  	s20 =	simm.s32 $0x1000  }
0x61: {  	[spmem:s1] =	stream.indirect.scatter.add.f32 [tilespmem:s13], [sflag:$0x1], $0x1, s20, s16, $0xb8;
	[tilespmem:$0x2B00] =	vst v63  }
0x62: {  	s20 =	simm.s32 $0x1080  }
0x63: {  	[spmem:s1] =	stream.indirect.scatter.add.f32 [tilespmem:s13], [sflag:$0x1], $0x1, s20, s16, $0xb8;
	[tilespmem:$0x2B00] =	vst v63  }
0x64: {  	s20 =	simm.s32 $0x1100  }
0x65: {  	[spmem:s1] =	stream.indirect.scatter.add.f32 [tilespmem:s13], [sflag:$0x1], $0x1, s20, s16, $0xb8;
	[tilespmem:$0x2B00] =	vst v63  }
0x66: {  	s20 =	simm.s32 $0x1180  }
0x67: {  	[spmem:s1] =	stream.indirect.scatter.add.f32 [tilespmem:s13], [sflag:$0x1], $0x1, s20, s16, $0xb8;
	[tilespmem:$0x2B00] =	vst v63  }
0x68: {  	s20 =	simm.s32 $0x1200  }
0x69: {  	[spmem:s1] =	stream.indirect.scatter.add.f32 [tilespmem:s13], [sflag:$0x1], $0x1, s20, s16, $0xb8;
	[tilespmem:$0x2B00] =	vst v63  }
0x6a: {  	s20 =	simm.s32 $0x1280  }
0x6b: {  	[spmem:s1] =	stream.indirect.scatter.add.f32 [tilespmem:s13], [sflag:$0x1], $0x1, s20, s16, $0xb8;
	[tilespmem:$0x2B00] =	vst v63  }
0x6c: {  	s20 =	simm.s32 $0x1300  }
0x6d: {  	[spmem:s1] =	stream.indirect.scatter.add.f32 [tilespmem:s13], [sflag:$0x1], $0x1, s20, s16, $0xb8;
	[tilespmem:$0x2B00] =	vst v63  }
0x6e: {  	s20 =	simm.s32 $0x1380  }
0x6f: {  	[spmem:s1] =	stream.indirect.scatter.add.f32 [tilespmem:s13], [sflag:$0x1], $0x1, s20, s16, $0xb8;
	[tilespmem:$0x2B00] =	vst v63  }
0x70: {  	_ = 	snop  }
0x71: {  	[tilespmem:s23], [sflag:$0x2] =	stream.linear.gather [hbm4b:s9+s3], $0x1400, $0x38;
	[tilespmem:$0x2B00] =	vst v63  }
0x72: {  	_ =	swait.ge [sflag:s14], $0x1400  }
0x73: {  	[sflag:s14] =	ssyncset.done $0x0  }
0x74: {  	[sflag:s14] =	ssyncadd.s32 $0xFFFFEC00  }
0x75: {  	[spmem:s1] =	stream.indirect.scatter.add.f32 [tilespmem:s13], [sflag:$0x1], $0x1, s23, s16, $0xb8;
	[tilespmem:$0x2B00] =	vst v63  }
0x76: {  	s20 =	simm.s32 $0x1480  }
0x77: {  	[spmem:s1] =	stream.indirect.scatter.add.f32 [tilespmem:s13], [sflag:$0x1], $0x1, s20, s16, $0xb8;
	[tilespmem:$0x2B00] =	vst v63  }
0x78: {  	s20 =	simm.s32 $0x1500  }
0x79: {  	[spmem:s1] =	stream.indirect.scatter.add.f32 [tilespmem:s13], [sflag:$0x1], $0x1, s20, s16, $0xb8;
	[tilespmem:$0x2B00] =	vst v63  }
0x7a: {  	s20 =	simm.s32 $0x1580  }
0x7b: {  	[spmem:s1] =	stream.indirect.scatter.add.f32 [tilespmem:s13], [sflag:$0x1], $0x1, s20, s16, $0xb8;
	[tilespmem:$0x2B00] =	vst v63  }
0x7c: {  	s20 =	simm.s32 $0x1600  }
0x7d: {  	[spmem:s1] =	stream.indirect.scatter.add.f32 [tilespmem:s13], [sflag:$0x1], $0x1, s20, s16, $0xb8;
	[tilespmem:$0x2B00] =	vst v63  }
0x7e: {  	s20 =	simm.s32 $0x1680  }
0x7f: {  	[spmem:s1] =	stream.indirect.scatter.add.f32 [tilespmem:s13], [sflag:$0x1], $0x1, s20, s16, $0xb8;
	[tilespmem:$0x2B00] =	vst v63  }
0x80: {  	s20 =	simm.s32 $0x1700  }
0x81: {  	[spmem:s1] =	stream.indirect.scatter.add.f32 [tilespmem:s13], [sflag:$0x1], $0x1, s20, s16, $0xb8;
	[tilespmem:$0x2B00] =	vst v63  }
0x82: {  	s20 =	simm.s32 $0x1780  }
0x83: {  	[spmem:s1] =	stream.indirect.scatter.add.f32 [tilespmem:s13], [sflag:$0x1], $0x1, s20, s16, $0xb8;
	[tilespmem:$0x2B00] =	vst v63  }
0x84: {  	s20 =	simm.s32 $0x1800  }
0x85: {  	[spmem:s1] =	stream.indirect.scatter.add.f32 [tilespmem:s13], [sflag:$0x1], $0x1, s20, s16, $0xb8;
	[tilespmem:$0x2B00] =	vst v63  }
0x86: {  	s20 =	simm.s32 $0x1880  }
0x87: {  	[spmem:s1] =	stream.indirect.scatter.add.f32 [tilespmem:s13], [sflag:$0x1], $0x1, s20, s16, $0xb8;
	[tilespmem:$0x2B00] =	vst v63  }
0x88: {  	s20 =	simm.s32 $0x1900  }
0x89: {  	[spmem:s1] =	stream.indirect.scatter.add.f32 [tilespmem:s13], [sflag:$0x1], $0x1, s20, s16, $0xb8;
	[tilespmem:$0x2B00] =	vst v63  }
0x8a: {  	s20 =	simm.s32 $0x1980  }
0x8b: {  	[spmem:s1] =	stream.indirect.scatter.add.f32 [tilespmem:s13], [sflag:$0x1], $0x1, s20, s16, $0xb8;
	[tilespmem:$0x2B00] =	vst v63  }
0x8c: {  	s20 =	simm.s32 $0x1A00  }
0x8d: {  	[spmem:s1] =	stream.indirect.scatter.add.f32 [tilespmem:s13], [sflag:$0x1], $0x1, s20, s16, $0xb8;
	[tilespmem:$0x2B00] =	vst v63  }
0x8e: {  	s20 =	simm.s32 $0x1A80  }
0x8f: {  	[spmem:s1] =	stream.indirect.scatter.add.f32 [tilespmem:s13], [sflag:$0x1], $0x1, s20, s16, $0xb8;
	[tilespmem:$0x2B00] =	vst v63  }
0x90: {  	s20 =	simm.s32 $0x1B00  }
0x91: {  	[spmem:s1] =	stream.indirect.scatter.add.f32 [tilespmem:s13], [sflag:$0x1], $0x1, s20, s16, $0xb8;
	[tilespmem:$0x2B00] =	vst v63  }
0x92: {  	s20 =	simm.s32 $0x1B80  }
0x93: {  	[spmem:s1] =	stream.indirect.scatter.add.f32 [tilespmem:s13], [sflag:$0x1], $0x1, s20, s16, $0xb8;
	[tilespmem:$0x2B00] =	vst v63  }
0x94: {  	s20 =	simm.s32 $0x1C00  }
0x95: {  	[spmem:s1] =	stream.indirect.scatter.add.f32 [tilespmem:s13], [sflag:$0x1], $0x1, s20, s16, $0xb8;
	[tilespmem:$0x2B00] =	vst v63  }
0x96: {  	s20 =	simm.s32 $0x1C80  }
0x97: {  	[spmem:s1] =	stream.indirect.scatter.add.f32 [tilespmem:s13], [sflag:$0x1], $0x1, s20, s16, $0xb8;
	[tilespmem:$0x2B00] =	vst v63  }
0x98: {  	s20 =	simm.s32 $0x1D00  }
0x99: {  	[spmem:s1] =	stream.indirect.scatter.add.f32 [tilespmem:s13], [sflag:$0x1], $0x1, s20, s16, $0xb8;
	[tilespmem:$0x2B00] =	vst v63  }
0x9a: {  	s20 =	simm.s32 $0x1D80  }
0x9b: {  	[spmem:s1] =	stream.indirect.scatter.add.f32 [tilespmem:s13], [sflag:$0x1], $0x1, s20, s16, $0xb8;
	[tilespmem:$0x2B00] =	vst v63  }
0x9c: {  	s20 =	simm.s32 $0x1E00  }
0x9d: {  	[spmem:s1] =	stream.indirect.scatter.add.f32 [tilespmem:s13], [sflag:$0x1], $0x1, s20, s16, $0xb8;
	[tilespmem:$0x2B00] =	vst v63  }
0x9e: {  	s20 =	simm.s32 $0x1E80  }
0x9f: {  	[spmem:s1] =	stream.indirect.scatter.add.f32 [tilespmem:s13], [sflag:$0x1], $0x1, s20, s16, $0xb8;
	[tilespmem:$0x2B00] =	vst v63  }
0xa0: {  	s20 =	simm.s32 $0x1F00  }
0xa1: {  	[spmem:s1] =	stream.indirect.scatter.add.f32 [tilespmem:s13], [sflag:$0x1], $0x1, s20, s16, $0xb8;
	[tilespmem:$0x2B00] =	vst v63  }
0xa2: {  	s20 =	simm.s32 $0x1F80  }
0xa3: {  	[spmem:s1] =	stream.indirect.scatter.add.f32 [tilespmem:s13], [sflag:$0x1], $0x1, s20, s16, $0xb8;
	[tilespmem:$0x2B00] =	vst v63  }
0xa4: {  	s20 =	simm.s32 $0x2000  }
0xa5: {  	[spmem:s1] =	stream.indirect.scatter.add.f32 [tilespmem:s13], [sflag:$0x1], $0x1, s20, s16, $0xb8;
	[tilespmem:$0x2B00] =	vst v63  }
0xa6: {  	s20 =	simm.s32 $0x2080  }
0xa7: {  	[spmem:s1] =	stream.indirect.scatter.add.f32 [tilespmem:s13], [sflag:$0x1], $0x1, s20, s16, $0xb8;
	[tilespmem:$0x2B00] =	vst v63  }
0xa8: {  	s20 =	simm.s32 $0x2100  }
0xa9: {  	[spmem:s1] =	stream.indirect.scatter.add.f32 [tilespmem:s13], [sflag:$0x1], $0x1, s20, s16, $0xb8;
	[tilespmem:$0x2B00] =	vst v63  }
0xaa: {  	s20 =	simm.s32 $0x2180  }
0xab: {  	[spmem:s1] =	stream.indirect.scatter.add.f32 [tilespmem:s13], [sflag:$0x1], $0x1, s20, s16, $0xb8;
	[tilespmem:$0x2B00] =	vst v63  }
0xac: {  	s20 =	simm.s32 $0x2200  }
0xad: {  	[spmem:s1] =	stream.indirect.scatter.add.f32 [tilespmem:s13], [sflag:$0x1], $0x1, s20, s16, $0xb8;
	[tilespmem:$0x2B00] =	vst v63  }
0xae: {  	_ = 	snop  }
0xaf: {  	[spmem:s1] =	stream.indirect.scatter.add.f32 [tilespmem:s13], [sflag:$0x1], $0x1, s21, s16, $0xb8;
	[tilespmem:$0x2B00] =	vst v63  }
0xb0: {  	_ = 	snop  }
0xb1: {  	[spmem:s1] =	stream.indirect.scatter.add.f32 [tilespmem:s13], [sflag:$0x1], $0x1, s22, s16, $0xb8;
	[tilespmem:$0x2B00] =	vst v63  }
0xb2: {  	_ = 	snop  }
0xb3: {  	[spmem:s1] =	stream.indirect.scatter.add.f32 [tilespmem:s13], [sflag:$0x1], $0x1, s24, s16, $0xb8;
	[tilespmem:$0x2B00] =	vst v63  }
0xb4: {  	_ = 	snop  }
0xb5: {  	[spmem:s1] =	stream.indirect.scatter.add.f32 [tilespmem:s13], [sflag:$0x1], $0x1, s25, s16, $0xb8;
	[tilespmem:$0x2B00] =	vst v63  }
0xb6: {  	_ = 	snop  }
0xb7: {  	[spmem:s1] =	stream.indirect.scatter.add.f32 [tilespmem:s13], [sflag:$0x1], $0x1, s26, s16, $0xb8;
	[tilespmem:$0x2B00] =	vst v63  }
0xb8: {  	_ = 	snop  }
0xb9: {  	[spmem:s1] =	stream.indirect.scatter.add.f32 [tilespmem:s13], [sflag:$0x1], $0x1, s28, s16, $0xb8;
	[tilespmem:$0x2B00] =	vst v63  }
0xba: {  	_ = 	snop  }
0xbb: {  	[spmem:s1] =	stream.indirect.scatter.add.f32 [tilespmem:s13], [sflag:$0x1], $0x1, s29, s16, $0xb8;
	[tilespmem:$0x2B00] =	vst v63  }
0xbc: {  	_ = 	snop  }
0xbd: {  	[spmem:s1] =	stream.indirect.scatter.add.f32 [tilespmem:s13], [sflag:$0x1], $0x1, s30, s16, $0xb8;
	[tilespmem:$0x2B00] =	vst v63  }
0xbe: {  	_ = 	snop  }
0xbf: {  	[spmem:s1] =	stream.indirect.scatter.add.f32 [tilespmem:s13], [sflag:$0x1], $0x1, s31, s16, $0xb8;
	[tilespmem:$0x2B00] =	vst v63  }
0xc0: {  	_ = 	snop  }
0xc1: {  	[spmem:s1] =	stream.indirect.scatter.add.f32 [tilespmem:s13], [sflag:$0x1], $0x1, s0, s16, $0xb8;
	[tilespmem:$0x2B00] =	vst v63  }
0xc2: {  	_ = 	snop  }
0xc3: {  	[spmem:s1] =	stream.indirect.scatter.add.f32 [tilespmem:s13], [sflag:$0x1], $0x1, s2, s16, $0xb8;
	[tilespmem:$0x2B00] =	vst v63  }
0xc4: {  	_ =	swait.ge [sflag:s15], $0x80  }
0xc5: {  	s20 =	simm.s32 $0x4F;
	[sflag:s15] =	ssyncset.done $0x0  }
.LBB2_2:
0xc6: {  	p0 =	sne.s32 s20, $0x1;
	s20 =	sadd.s32 $0xFFFFFFFF, s20;
	[sflag:s15] =	ssyncadd.s32 $0xFFFFFF80  }
.Ltmp0:
0xc7: {  	(pc) =	sbr.rel @p0 .LBB2_2-.Ltmp0, $3  }
0xc8: {  	_ =	sdelay $0x1  }
0xc9: {  	_ =	swait.ge [sflag:s15], $0x80  }
0xca: {  	[sflag:s15] =	ssyncset.done $0x0  }
0xcb: {  	s19 =	sadd.s32 $0x1, s19  }
0xcc: {  	[sflag:s15] =	ssyncadd.s32 $0xFFFFFF80;
	p0 =	sne.s32 s19, s11  }
.Ltmp1:
0xcd: {  	s20 =	sor.u32 $0x1C02, s6;
	[bflag:$0x0] =	sbarrier.arrive $0xFFFF;
	(pc) =	sbr.rel @p0 .LBB2_1-.Ltmp1, $4  }
0xce: {  	[hbm:s10@s17], [sflag:s20] =	dma.strided [spmem:s12@s18], $0x50, s15, $0x10   }
0xcf: {  	_ =	swait.ge [sflag:s14], $0x50  }
0xd0: {  	[sflag:s14] =	ssyncset.done $0x0  }
0xd1: {  	[sflag:s14] =	ssyncadd.s32 $0xFFFFFFB0  }
0xd2: {  	_ =	sfence.sel $0x180000  }
0xd3: {  	[bflag:$0x0] =	sbarrier.arrive $0xFFFF  }
0xd4: {  	_ =	strace $0x90000047  }
0xd5: {  	s0 =	stileid.u32;
	[bflag:$0x2] =	sbarrier.arrive $0xFFFF  }
0xd6: {  	p0 =	sne.s32 s0, $0x0;
	s0 =	rddreg [dreg:$0x3]  }
0xd7: {  	s0 =	sadd.s32 @!p0 $0x100000, s0  }
0xd8: {  	[sflag:s0] =	ssyncadd.tile.s32 @!p0 $0x1;
	_ =	shalt  }
.Lfunc_end2:
_tile_overlayer_lowered:
.L_overlay_start_2:
0xd9: {  	(tag) =	ssettag $0x2  }
0xda: {  	s0 =	rddreg [dreg:$0x0];
	s2 =	stileid.u32  }
0xdb: {  	s1 =	rddreg [dreg:$0x1];
	p0 =	sne.s32 s2, $0x0  }
0xdc: {  	s3 =	rddreg [dreg:$0x2];
	[bflag:$0x3] =	sbarrier.arrive $0xFFFF;
	s2 =	simm.s32 @!p0 $0x1C02  }
0xdd: {  	[timem:s3], [sflag:s2] =	dma.local @!p0 [hbm:s0], s1  }
0xde: {  	s0 =	simm.s32 @!p0 $0x2  }
0xdf: {  	_ =	swait.ge @!p0 [sflag:s0], s1  }
0xe0: {  	s1 =	ssub.s32 @!p0 $0x0, s1;
	[sflag:s0] =	ssyncset.done @!p0 $0x0  }
0xe1: {  	[sflag:s0] =	ssyncadd.s32 @!p0 s1  }
0xe2: {  	[bflag:$0x3] =	sbarrier.arrive $0xFFFF  }
0xe3: {  	_ =	shalt  }

// kernel: kernel.9.cloned.1.call-start
scs
__scs_entry_jumppad:
0x0: {  	(pc) =	sbr.rel $0x88, $3  }
0x1: {  	(tag) =	ssettag $0x0;
	lr =	simm.s32 $0x1  }
0x2: {  	[smem:$0x3F9B] =	sst lr;
	_ =	strace $0xD0000000  }
0x3: {  	_ = 	snop  }
0x4: {  	_ = 	snop  }
0x5: {  	_ = 	snop  }
0x6: {  	_ = 	snop  }
0x7: {  	_ = 	snop  }
__scs_overlays_trampoline_lowered:
0x8: {  	[smem:$0x3FAA] =	sst s0  }
0x9: {  	[smem:$0x3FAB] =	sst s1  }
0xa: {  	[smem:$0x3FAC] =	sst s2  }
0xb: {  	[smem:$0x3FAD] =	sst s3  }
0xc: {  	[smem:$0x3FAE] =	sst s4  }
0xd: {  	[smem:$0x3FAF] =	sst s5  }
0xe: {  	[smem:$0x3FB0] =	sst s6  }
0xf: {  	[smem:$0x3FB1] =	sst s7  }
0x10: {  	[smem:$0x3FB2] =	sst s8  }
0x11: {  	[smem:$0x3FB3] =	sst s9;
	s0 =	simm.s32 @!p0 $0x0  }
0x12: {  	s1 =	sld [smem:$0x3F99];
	s0 =	simm.s32 @p0 $0x1  }
0x13: {  	[smem:$0x3FB4] =	sst s0;
	s0 =	simm.s32 @!p1 $0x0  }
0x14: {  	s2 =	sld [smem:$0x3F98];
	s0 =	simm.s32 @p1 $0x1  }
0x15: {  	[smem:$0x3FB5] =	sst s0;
	s0 =	simm.s32 @!p2 $0x0  }
0x16: {  	s3 =	sld [smem:$0x3FDB];
	s0 =	simm.s32 @p2 $0x1  }
0x17: {  	s4 =	simm.s32 $0x1BF5;
	[smem:$0x3FB7] =	sst s0  }
0x18: {  	s0 =	sld [smem:$0x3F9A];
	_ =	swait.ge [sflag:s4], $0x0  }
0x19: {  	s7 =	sld [smem:$0x3F9B]  }
0x1a: {  	s8 =	sadd.s32 $0xFFFFE003, lr  }
0x1b: {  	s9 =	sadd.s32 $0xFFFFFEF7, lr;
	s5 =	simm.s32 $0xFFFFFFFF;
	p2 =	slt.u32 s8, $0xFFFFF086  }
0x1c: {  	p1 =	slt.u32 s9, $0xF7A;
	s5 =	simm.s32 @!p2 $0x0  }
0x1d: {  	s5 =	simm.s32 @p1 $0x1;
	p0 =	seq.s32 s7, s2  }
0x1e: {  	s7 =	smul.u32 @!p0 $0xF7A, s2;
	p2 =	seq.s32 @!p0 s5, $0x0  }
0x1f: {  	s9 =	smul.u32 $0xF7A, s1;
	s8 =	simm.s32 @!p0 $0x1BF5;
	p2 =	por !p2, p0  }
0x20: {  	[sflag:s8] =	ssyncset.s32 @!p0 $0xFFFFF086;
	s6 =	sadd.s32 @!p0 s3, s7;
	s7 =	simm.s32 @!p0 $0x108  }
0x21: {  	s3 =	sadd.s32 s3, s9;
	s6 =	sadd.s32 @!p0 $0x88, s6;
	s7 =	simm.s32 @p2 $0x1082  }
0x22: {  	[simem:s7], [sflag:s8] =	dma.local @!p0 [hbm:s6], $0xF7A  }
0x23: {  	s9 =	sor.u32 $0xD0000000, s2;
	s6 =	simm.s32 $0x108;
	_ =	swait.ge @!p0 [sflag:s8], $0x0  }
0x24: {  	s3 =	sadd.s32 $0x88, s3;
	s6 =	simm.s32 @!p1 $0x1082;
	[sflag:s4] =	ssyncset.s32 $0xFFFFF086  }
0x25: {  	[simem:s6], [sflag:s4] =	dma.local [hbm:s3], $0xF7A  }
0x26: {  	[smem:$0x3F9B] =	sst s1;
	(tag) =	ssettag s2;
	_ =	strace s9  }
0x27: {  	s1 =	sld [smem:$0x3FAB]  }
0x28: {  	s2 =	sld [smem:$0x3FAC]  }
0x29: {  	s4 =	sld [smem:$0x3FAE]  }
0x2a: {  	p0 =	seq.s32 s5, $0x0;
	s5 =	sld [smem:$0x3FAF]  }
0x2b: {  	s6 =	sld [smem:$0x3FB0]  }
0x2c: {  	s7 =	sld [smem:$0x3FB1]  }
0x2d: {  	s3 =	simm.s32 $0x108;
	s8 =	sld [smem:$0x3FB2]  }
0x2e: {  	s3 =	simm.s32 @!p0 $0x1082;
	s9 =	sld [smem:$0x3FB3]  }
0x2f: {  	lr =	sadd.s32 s0, s3;
	s0 =	sld [smem:$0x3FAA]  }
0x30: {  	s3 =	sld [smem:$0x3FAD]  }
0x31: {  	[smem:$0x3FB6] =	sst s10  }
0x32: {  	s10 =	sld [smem:$0x3FB4];
	_ =	sdelay $0x3  }
0x33: {  	p0 =	seq.s32 s10, $0x1;
	s10 =	sld [smem:$0x3FB6];
	_ =	sdelay $0x3  }
0x34: {  	[smem:$0x3FB6] =	sst s10  }
0x35: {  	s10 =	sld [smem:$0x3FB5];
	_ =	sdelay $0x3  }
0x36: {  	p1 =	seq.s32 s10, $0x1;
	s10 =	sld [smem:$0x3FB6];
	_ =	sdelay $0x3  }
0x37: {  	[smem:$0x3FB6] =	sst s10  }
0x38: {  	s10 =	sld [smem:$0x3FB7]  }
0x39: {  	_ = 	snop;
	(pc) =	sbr.ind lr, $3  }
0x3a: {  	_ = 	snop  }
0x3b: {  	_ = 	snop  }
0x3c: {  	p2 =	seq.s32 s10, $0x1;
	s10 =	sld [smem:$0x3FB6]  }
0x3d: {  	_ =	shalt  }
0x3e: {  	_ =	shalt  }
0x3f: {  	_ =	shalt  }
0x40: {  	_ =	shalt  }
0x41: {  	_ =	shalt  }
0x42: {  	_ =	shalt  }
0x43: {  	_ =	shalt  }
0x44: {  	_ =	shalt  }
0x45: {  	_ =	shalt  }
0x46: {  	_ =	shalt  }
0x47: {  	_ =	shalt  }
0x48: {  	_ =	shalt  }
0x49: {  	_ =	shalt  }
0x4a: {  	_ =	shalt  }
0x4b: {  	_ =	shalt  }
0x4c: {  	_ =	shalt  }
0x4d: {  	_ =	shalt  }
0x4e: {  	_ =	shalt  }
0x4f: {  	_ =	shalt  }
0x50: {  	_ =	shalt  }
0x51: {  	_ =	shalt  }
0x52: {  	_ =	shalt  }
0x53: {  	_ =	shalt  }
0x54: {  	_ =	shalt  }
0x55: {  	_ =	shalt  }
0x56: {  	_ =	shalt  }
0x57: {  	_ =	shalt  }
0x58: {  	_ =	shalt  }
0x59: {  	_ =	shalt  }
0x5a: {  	_ =	shalt  }
0x5b: {  	_ =	shalt  }
0x5c: {  	_ =	shalt  }
0x5d: {  	_ =	shalt  }
0x5e: {  	_ =	shalt  }
0x5f: {  	_ =	shalt  }
0x60: {  	_ =	shalt  }
0x61: {  	_ =	shalt  }
0x62: {  	_ =	shalt  }
0x63: {  	_ =	shalt  }
0x64: {  	_ =	shalt  }
0x65: {  	_ =	shalt  }
0x66: {  	_ =	shalt  }
0x67: {  	_ =	shalt  }
0x68: {  	_ =	shalt  }
0x69: {  	_ =	shalt  }
0x6a: {  	_ =	shalt  }
0x6b: {  	_ =	shalt  }
0x6c: {  	_ =	shalt  }
0x6d: {  	_ =	shalt  }
0x6e: {  	_ =	shalt  }
0x6f: {  	_ =	shalt  }
0x70: {  	_ =	shalt  }
0x71: {  	_ =	shalt  }
0x72: {  	_ =	shalt  }
0x73: {  	_ =	shalt  }
0x74: {  	_ =	shalt  }
0x75: {  	_ =	shalt  }
0x76: {  	_ =	shalt  }
0x77: {  	_ =	shalt  }
0x78: {  	_ =	shalt  }
0x79: {  	_ =	shalt  }
0x7a: {  	_ =	shalt  }
0x7b: {  	_ =	shalt  }
0x7c: {  	_ =	shalt  }
0x7d: {  	_ =	shalt  }
0x7e: {  	_ =	shalt  }
0x7f: {  	_ =	shalt  }
0x80: {  	_ =	shalt  }
0x81: {  	_ =	shalt  }
0x82: {  	_ =	shalt  }
0x83: {  	_ =	shalt  }
0x84: {  	_ =	shalt  }
0x85: {  	_ =	shalt  }
0x86: {  	_ =	shalt  }
0x87: {  	_ =	shalt  }
.Lfunc_end0:
.L_simem_size_0:
called_computation.1_lowered:
.L_overlay_start_0:
0x88: {  	s2 =	sld [smem:$0x3FD9]  }
0x89: {  	s3 =	sld [smem:$0x3FFE];
	_ =	sdelay $0x1  }
0x8a: {  	s1 =	srdreg.scid  }
0x8b: {  	s0 =	sand.u32 $0x1, s1  }
0x8c: {  	s17 =	sshll.u32 s0, $0xA;
	s2 =	sadd.s32 s3, s2  }
0x8d: {  	s2 =	sadd.s32 s2, s17  }
0x8e: {  	[smem:$0x3FC2] =	sst s2  }
0x8f: {  	_ = 	snop  }
0x90: {  	s2 =	sld [smem:$0x3FD0];
	(tm) =	ssettm $0x1  }
0x91: {  	s18 =	sld [smem:$0x3FFB];
	_ =	sdelay $0x3  }
0x92: {  	_ =	strace s18  }
0x93: {  	s3 =	sld [smem:$0x3FFC];
	_ =	sdelay $0x3  }
0x94: {  	_ =	strace s3  }
0x95: {  	s3 =	sld [smem:$0x3FFD];
	_ =	sdelay $0x3  }
0x96: {  	_ =	strace s3  }
0x97: {  	_ =	strace $0x8FFFFFFF  }
0x98: {  	s19 =	sld [smem:$0x3FDB];
	_ =	sdelay $0x1  }
0x99: {  	s4 =	simm.s32 $_scs_section_size  }
0x9a: {  	s5 =	simm.s32 $_size__tile_overlayer_lowered;
	s6 =	simm.s32 $_tile_overlayer_lowered  }
0x9b: {  	s22 =	simm.s32 $0x1BFF;
	s21 =	sshll.u32 s6, $0x1;
	s3 =	sadd.s32 s4, s19  }
0x9c: {  	s7 =	simm.s32 $0x0;
	s20 =	sshll.u32 s5, $0x1;
	s5 =	sadd.s32 s21, s3  }
0x9d: {  	[timem:s7], [sflag:s22] =	dma.local [hbm:s5], s20  }
0x9e: {  	_ =	swait.ge [sflag:s22], s20  }
0x9f: {  	s4 =	ssub.s32 $0x0, s20;
	[sflag:s22] =	ssyncset.done $0x0  }
0xa0: {  	[sflag:s22] =	ssyncadd.s32 s4;
	_ =	sdelay $0x1  }
0xa1: {  	s23 =	simm.s32 $0x1B8B  }
0xa2: {  	_ =	swait.ge [sflag:s23], $0x1  }
0xa3: {  	[sflag:s23] =	ssyncset.done $0x0  }
0xa4: {  	s25 =	simm.s32 $0x1B8E;
	s24 =	sld [smem:$0x3FFE];
	[sflag:s23] =	ssyncadd.s32 $0xFFFFFFFF  }
0xa5: {  	s26 =	simm.s32 $execute0_lowered;
	[smem:$0x3FD2] =	sst s25  }
0xa6: {  	s5 =	sshll.u32 s26, $0x1;
	_ =	strace $0x80000049;
	[dreg:$0x1] =	wrdreg $0xFFFFFFFF  }
0xa7: {  	s28 =	simm.s32 $_size_execute0_lowered;
	s3 =	sadd.s32 s3, s5;
	[dreg:$0x0] =	wrdreg $0x0  }
0xa8: {  	s5 =	sshll.u32 s28, $0x1;
	[dreg:$0x2] =	wrdreg s3  }
0xa9: {  	[dreg:$0x3] =	wrdreg s5  }
0xaa: {  	[dreg:$0x4] =	wrdreg $0xC0  }
0xab: {  	_ =	task [dreg:s7], $0x5FFFF  }
0xac: {  	[dreg:$0x1] =	wrdreg $0xFFFFFFFF  }
0xad: {  	[dreg:$0x0] =	wrdreg $0x60  }
0xae: {  	[dreg:$0x2] =	wrdreg s24  }
0xaf: {  	[dreg:$0x3] =	wrdreg s2  }
0xb0: {  	[dreg:$0x4] =	wrdreg $0xA8000  }
0xb1: {  	[dreg:$0x5] =	wrdreg $0x9  }
0xb2: {  	_ =	task.clear_ibuf [dreg:s7], $0x6FFFF;
	_ =	strace $0x90000049  }
0xb3: {  	s29 =	simm.s32 $0x9;
	_ =	strace $0x8000004B  }
0xb4: {  	_ =	swait.ge [sflag:s29], $0x1  }
0xb5: {  	[sflag:s29] =	ssyncadd.s32 $0xFFFFFFFF  }
0xb6: {  	_ =	strace $0x9000004B  }
0xb7: {  	_ =	sfence  }
0xb8: {  	s30 =	sld [smem:$0x0];
	_ =	sdelay $0x2  }
0xb9: {  	s31 =	sshll.u32 s1, $0xD;
	s1 =	sshrl.u32 s1, $0x2  }
0xba: {  	s3 =	sand.u32 $0x4000, s31;
	s1 =	sadd.s32 s1, s30  }
0xbb: {  	s0 =	sor.u32 s3, s0;
	s1 =	sshll.u32 s1, $0x11  }
0xbc: {  	s0 =	sor.u32 s1, s0  }
0xbd: {  	s0 =	sadd.s32 $0x8F2B, s0  }
0xbe: {  	[sflag:s0] =	ssyncadd.remote.s32 $0x1  }
0xbf: {  	_ =	sfence.sel $0xFFFF  }
0xc0: {  	[dreg:$0x0] =	wrdreg $0xFFFFFFFF;
	(pc) =	sbr.abs _section_cstart, $3  }
0xc1: {  	[dreg:$0x1] =	wrdreg $0xFFFFFFFF  }
0xc2: {  	_ =	task.clear_ibuf [dreg:s7], $0x2FFFF;
	_ =	strace $0x9FFFFFFF  }
0xc3: {  	(tm) =	ssettm $0x7FFFFFFF  }
tec
execute0_lowered:
.L_overlay_start_1:
0x0: {  	(tag) =	ssettag $0x1  }
0x1: {  	s6 =	rddreg [dreg:$0x0]  }
0x2: {  	s1 =	rddreg [dreg:$0x1]  }
0x3: {  	s2 =	rddreg [dreg:$0x2]  }
0x4: {  	s3 =	srdreg.scid;
	s0 =	rddreg [dreg:$0x3];
	s4 =	simm.s32 $0x0  }
0x5: {  	s16 =	simm.s32 $0x1400;
	s17 =	simm.s32 $0x1;
	s18 =	simm.s32 $0x80  }
0x6: {  	s19 =	simm.s32 $0x2800;
	s20 =	simm.s32 $0x6800;
	s21 =	simm.s32 $0x2  }
0x7: {  	s22 =	simm.s32 $0x2700;
	s23 =	simm.s32 $0x2780;
	s24 =	simm.s32 $0x0  }
0x8: {  	s7 =	sand.u32 $0x1, s3;
	s3 =	stileid.u32;
	[smem:$0x7FF] =	sst s4  }
0x9: {  	s10 =	sadd.s32 $0x1600, s6;
	s11 =	sadd.s32 $0xB600, s6;
	s5 =	smul.u32 $0x140000, s7  }
0xa: {  	s8 =	smul.u32 $0x14000, s3;
	_ =	strace $0x8000004A;
	s9 =	sshll.u32 s7, $0x4  }
0xb: {  	s7 =	ssub.s32 $0x2, s7;
	s12 =	smul.u32 $0x50000, s3;
	s9 =	sor.u32 s3, s9  }
0xc: {  	s28 =	sshrl.u32 s7, $0x1;
	s8 =	sadd.s32 s8, s5;
	s5 =	sadd.s32 $0x15600, s6  }
0xd: {  	s29 =	smul.u32 $0x2800, s9;
	s14 =	ssub.s32 s7, s28;
	s8 =	sshrl.u32 s8, $0x3  }
0xe: {  	s30 =	sshrl.u32 s12, $0x2;
	s13 =	sadd.s32 s8, s6;
	s6 =	sshll.u32 s3, $0x6  }
0xf: {  	s15 =	sadd.s32 s30, s2;
	s31 =	sshrl.u32 s29, $0x3;
	s7 =	sor.u32 $0x1C01, s6  }
0x10: {  	s8 =	sadd.s32 s10, s31;
	s9 =	sadd.s32 s11, s31;
	s12 =	sadd.s32 $0x280, s31  }
0x11: {  	s10 =	sadd.s32 s10, s12;
	s11 =	sadd.s32 s11, s12;
	s12 =	sadd.s32 $0x17E00, s13  }
0x12: {  	s13 =	smax.u32 s14, $0x1;
	s14 =	sshrl.u32 s15, $0x3;
	s15 =	simm.s32 $0x3  }
.LBB2_1:
0x13: {  	[spmem:s14], [sflag:s7] =	dma.local [hbm:s5], $0x2800  }
0x14: {  	[tilespmem:s4], [sflag:$0x3] =	stream.linear.gather [hbm4b:s8+s4], $0x1400, $0x38;
	[tilespmem:$0x1E800] =	vst v63  }
0x15: {  	_ =	swait.ge [sflag:s15], $0x1400  }
0x16: {  	[sflag:s15] =	ssyncset.done $0x0  }
0x17: {  	[sflag:s15] =	ssyncadd.s32 $0xFFFFEC00  }
0x18: {  	[tilespmem:s16], [sflag:$0x3] =	stream.linear.gather [hbm4b:s9+s4], $0x1400, $0x38;
	[tilespmem:$0x1E800] =	vst v63  }
0x19: {  	_ =	swait.ge [sflag:s15], $0x1400  }
0x1a: {  	[sflag:s15] =	ssyncset.done $0x0  }
0x1b: {  	[sflag:s15] =	ssyncadd.s32 $0xFFFFEC00  }
0x1c: {  	_ =	swait.ge [sflag:s17], $0x2800  }
0x1d: {  	[sflag:s17] =	ssyncset.done $0x0  }
0x1e: {  	[sflag:s17] =	ssyncadd.s32 $0xFFFFD800  }
0x1f: {  	[bflag:$0x0] =	sbarrier.arrive $0xFFFF  }
0x20: {  	[tilespmem:s19], [sflag:$0x1] =	stream.indirect.gather [hbm4b:s1+s18], $0x80, s4, s18, $0xb8;
	[tilespmem:$0x1E800] =	vst v63  }
0x21: {  	_ = 	snop  }
0x22: {  	[tilespmem:s20], [sflag:$0x2] =	stream.indirect.gather [hbm4b:s1+s18], $0x80, s18, s18, $0xb8;
	[tilespmem:$0x1E800] =	vst v63  }
0x23: {  	_ =	swait.ge [sflag:s17], $0x4000  }
0x24: {  	[sflag:s17] =	ssyncset.done $0x0  }
0x25: {  	s25 =	simm.s32 $0x1400;
	[sflag:s17] =	ssyncadd.s32 $0xFFFFC000  }
0x26: {  	[spmem:s2] =	stream.indirect.scatter.add.f32 [tilespmem:s19], [sflag:$0x3], $0x80, s25, s18, $0xb8;
	[tilespmem:$0x1E800] =	vst v63  }
0x27: {  	_ =	swait.ge [sflag:s15], $0x4000  }
0x28: {  	[sflag:s15] =	ssyncset.done $0x0  }
0x29: {  	s30 =	simm.s32 $0x100;
	[sflag:s15] =	ssyncadd.s32 $0xFFFFC000  }
0x2a: {  	[tilespmem:s19], [sflag:$0x1] =	stream.indirect.gather [hbm4b:s1+s18], $0x80, s30, s18, $0xb8;
	[tilespmem:$0x1E800] =	vst v63  }
0x2b: {  	_ =	swait.ge [sflag:s21], $0x4000  }
0x2c: {  	[sflag:s21] =	ssyncset.done $0x0  }
0x2d: {  	s31 =	simm.s32 $0x1480;
	[sflag:s21] =	ssyncadd.s32 $0xFFFFC000  }
0x2e: {  	[spmem:s2] =	stream.indirect.scatter.add.f32 [tilespmem:s20], [sflag:$0x3], $0x80, s31, s18, $0xb8;
	[tilespmem:$0x1E800] =	vst v63  }
0x2f: {  	_ =	swait.ge [sflag:s15], $0x4000  }
0x30: {  	[sflag:s15] =	ssyncset.done $0x0  }
0x31: {  	s26 =	simm.s32 $0x180;
	s25 =	simm.s32 $0x400;
	[sflag:s15] =	ssyncadd.s32 $0xFFFFC000  }
.LBB2_2:
0x32: {  	[tilespmem:s20], [sflag:$0x2] =	stream.indirect.gather [hbm4b:s1+s18], $0x80, s26, s18, $0xb8;
	[tilespmem:$0x1E800] =	vst v63  }
0x33: {  	s26 =	smov.u32 s25  }
0x34: {  	p0 =	sne.s32 s25, $0x4800;
	s25 =	sadd.s32 $0x400, s25;
	_ =	swait.ge [sflag:s17], $0x4000  }
0x35: {  	s26 =	sshra.s32 s26, $0x2;
	[sflag:s17] =	ssyncset.done $0x0  }
0x36: {  	s28 =	sadd.s32 $0x1400, s26;
	[sflag:s17] =	ssyncadd.s32 $0xFFFFC000  }
0x37: {  	[spmem:s2] =	stream.indirect.scatter.add.f32 [tilespmem:s19], [sflag:$0x3], $0x80, s28, s18, $0xb8;
	[tilespmem:$0x1E800] =	vst v63  }
0x38: {  	_ =	swait.ge [sflag:s15], $0x4000  }
0x39: {  	[sflag:s15] =	ssyncset.done $0x0  }
0x3a: {  	s28 =	sadd.s32 $0x100, s26;
	[sflag:s15] =	ssyncadd.s32 $0xFFFFC000  }
0x3b: {  	[tilespmem:s19], [sflag:$0x1] =	stream.indirect.gather [hbm4b:s1+s18], $0x80, s28, s18, $0xb8;
	[tilespmem:$0x1E800] =	vst v63  }
0x3c: {  	_ =	swait.ge [sflag:s21], $0x4000  }
0x3d: {  	[sflag:s21] =	ssyncset.done $0x0  }
.Ltmp0:
0x3e: {  	s28 =	sadd.s32 $0x1480, s26;
	[sflag:s21] =	ssyncadd.s32 $0xFFFFC000;
	(pc) =	sbr.rel @p0 .LBB2_2-.Ltmp0, $4  }
0x3f: {  	[spmem:s2] =	stream.indirect.scatter.add.f32 [tilespmem:s20], [sflag:$0x3], $0x80, s28, s18, $0xb8;
	[tilespmem:$0x1E800] =	vst v63  }
0x40: {  	_ =	swait.ge [sflag:s15], $0x4000  }
0x41: {  	[sflag:s15] =	ssyncset.done $0x0  }
0x42: {  	s26 =	sadd.s32 $0x180, s26;
	[sflag:s15] =	ssyncadd.s32 $0xFFFFC000  }
0x43: {  	[tilespmem:s20], [sflag:$0x2] =	stream.indirect.gather [hbm4b:s1+s18], $0x80, s26, s18, $0xb8;
	[tilespmem:$0x1E800] =	vst v63  }
0x44: {  	_ =	swait.ge [sflag:s17], $0x4000  }
0x45: {  	[sflag:s17] =	ssyncset.done $0x0  }
0x46: {  	[sflag:s17] =	ssyncadd.s32 $0xFFFFC000  }
0x47: {  	[spmem:s2] =	stream.indirect.scatter.add.f32 [tilespmem:s19], [sflag:$0x3], $0x80, s22, s18, $0xb8;
	[tilespmem:$0x1E800] =	vst v63  }
0x48: {  	_ =	swait.ge [sflag:s15], $0x4000  }
0x49: {  	[sflag:s15] =	ssyncset.done $0x0  }
0x4a: {  	[sflag:s15] =	ssyncadd.s32 $0xFFFFC000  }
0x4b: {  	_ =	swait.ge [sflag:s21], $0x4000  }
0x4c: {  	[sflag:s21] =	ssyncset.done $0x0  }
0x4d: {  	[sflag:s21] =	ssyncadd.s32 $0xFFFFC000  }
0x4e: {  	[spmem:s2] =	stream.indirect.scatter.add.f32 [tilespmem:s20], [sflag:$0x3], $0x80, s23, s18, $0xb8;
	[tilespmem:$0x1E800] =	vst v63  }
0x4f: {  	_ =	swait.ge [sflag:s15], $0x4000  }
0x50: {  	[sflag:s15] =	ssyncset.done $0x0  }
0x51: {  	s25 =	simm.s32 $0x0;
	[sflag:s15] =	ssyncadd.s32 $0xFFFFC000  }
0x52: {  	[tilespmem:s25], [sflag:$0x3] =	stream.linear.gather [hbm4b:s10+s25], $0x1400, $0x38;
	[tilespmem:$0x1E800] =	vst v63  }
0x53: {  	_ =	swait.ge [sflag:s15], $0x1400  }
0x54: {  	[sflag:s15] =	ssyncset.done $0x0  }
0x55: {  	[sflag:s15] =	ssyncadd.s32 $0xFFFFEC00  }
0x56: {  	[tilespmem:s16], [sflag:$0x3] =	stream.linear.gather [hbm4b:s11+s25], $0x1400, $0x38;
	[tilespmem:$0x1E800] =	vst v63  }
0x57: {  	_ =	swait.ge [sflag:s15], $0x1400  }
0x58: {  	[sflag:s15] =	ssyncset.done $0x0  }
0x59: {  	[sflag:s15] =	ssyncadd.s32 $0xFFFFEC00  }
0x5a: {  	[tilespmem:s19], [sflag:$0x1] =	stream.indirect.gather [hbm4b:s1+s18], $0x80, s25, s18, $0xb8;
	[tilespmem:$0x1E800] =	vst v63  }
0x5b: {  	_ = 	snop  }
0x5c: {  	[tilespmem:s20], [sflag:$0x2] =	stream.indirect.gather [hbm4b:s1+s18], $0x80, s18, s18, $0xb8;
	[tilespmem:$0x1E800] =	vst v63  }
0x5d: {  	_ =	swait.ge [sflag:s17], $0x4000  }
0x5e: {  	[sflag:s17] =	ssyncset.done $0x0  }
0x5f: {  	s29 =	simm.s32 $0x1400;
	[sflag:s17] =	ssyncadd.s32 $0xFFFFC000  }
0x60: {  	[spmem:s2] =	stream.indirect.scatter.add.f32 [tilespmem:s19], [sflag:$0x3], $0x80, s29, s18, $0xb8;
	[tilespmem:$0x1E800] =	vst v63  }
0x61: {  	_ =	swait.ge [sflag:s15], $0x4000  }
0x62: {  	[sflag:s15] =	ssyncset.done $0x0  }
0x63: {  	s30 =	simm.s32 $0x100;
	[sflag:s15] =	ssyncadd.s32 $0xFFFFC000  }
0x64: {  	[tilespmem:s19], [sflag:$0x1] =	stream.indirect.gather [hbm4b:s1+s18], $0x80, s30, s18, $0xb8;
	[tilespmem:$0x1E800] =	vst v63  }
0x65: {  	_ =	swait.ge [sflag:s21], $0x4000  }
0x66: {  	[sflag:s21] =	ssyncset.done $0x0  }
0x67: {  	s31 =	simm.s32 $0x1480;
	[sflag:s21] =	ssyncadd.s32 $0xFFFFC000  }
0x68: {  	[spmem:s2] =	stream.indirect.scatter.add.f32 [tilespmem:s20], [sflag:$0x3], $0x80, s31, s18, $0xb8;
	[tilespmem:$0x1E800] =	vst v63  }
0x69: {  	_ =	swait.ge [sflag:s15], $0x4000  }
0x6a: {  	[sflag:s15] =	ssyncset.done $0x0  }
0x6b: {  	s26 =	simm.s32 $0x180;
	s25 =	simm.s32 $0x400;
	[sflag:s15] =	ssyncadd.s32 $0xFFFFC000  }
.LBB2_4:
0x6c: {  	[tilespmem:s20], [sflag:$0x2] =	stream.indirect.gather [hbm4b:s1+s18], $0x80, s26, s18, $0xb8;
	[tilespmem:$0x1E800] =	vst v63  }
0x6d: {  	s26 =	smov.u32 s25  }
0x6e: {  	p0 =	sne.s32 s25, $0x4800;
	s25 =	sadd.s32 $0x400, s25;
	_ =	swait.ge [sflag:s17], $0x4000  }
0x6f: {  	s26 =	sshra.s32 s26, $0x2;
	[sflag:s17] =	ssyncset.done $0x0  }
0x70: {  	s28 =	sadd.s32 $0x1400, s26;
	[sflag:s17] =	ssyncadd.s32 $0xFFFFC000  }
0x71: {  	[spmem:s2] =	stream.indirect.scatter.add.f32 [tilespmem:s19], [sflag:$0x3], $0x80, s28, s18, $0xb8;
	[tilespmem:$0x1E800] =	vst v63  }
0x72: {  	_ =	swait.ge [sflag:s15], $0x4000  }
0x73: {  	[sflag:s15] =	ssyncset.done $0x0  }
0x74: {  	s28 =	sadd.s32 $0x100, s26;
	[sflag:s15] =	ssyncadd.s32 $0xFFFFC000  }
0x75: {  	[tilespmem:s19], [sflag:$0x1] =	stream.indirect.gather [hbm4b:s1+s18], $0x80, s28, s18, $0xb8;
	[tilespmem:$0x1E800] =	vst v63  }
0x76: {  	_ =	swait.ge [sflag:s21], $0x4000  }
0x77: {  	[sflag:s21] =	ssyncset.done $0x0  }
.Ltmp1:
0x78: {  	s28 =	sadd.s32 $0x1480, s26;
	[sflag:s21] =	ssyncadd.s32 $0xFFFFC000;
	(pc) =	sbr.rel @p0 .LBB2_4-.Ltmp1, $4  }
0x79: {  	[spmem:s2] =	stream.indirect.scatter.add.f32 [tilespmem:s20], [sflag:$0x3], $0x80, s28, s18, $0xb8;
	[tilespmem:$0x1E800] =	vst v63  }
0x7a: {  	_ =	swait.ge [sflag:s15], $0x4000  }
0x7b: {  	[sflag:s15] =	ssyncset.done $0x0  }
0x7c: {  	s26 =	sadd.s32 $0x180, s26;
	[sflag:s15] =	ssyncadd.s32 $0xFFFFC000  }
0x7d: {  	[tilespmem:s20], [sflag:$0x2] =	stream.indirect.gather [hbm4b:s1+s18], $0x80, s26, s18, $0xb8;
	[tilespmem:$0x1E800] =	vst v63  }
0x7e: {  	_ =	swait.ge [sflag:s17], $0x4000  }
0x7f: {  	[sflag:s17] =	ssyncset.done $0x0  }
0x80: {  	[sflag:s17] =	ssyncadd.s32 $0xFFFFC000  }
0x81: {  	[spmem:s2] =	stream.indirect.scatter.add.f32 [tilespmem:s19], [sflag:$0x3], $0x80, s22, s18, $0xb8;
	[tilespmem:$0x1E800] =	vst v63  }
0x82: {  	_ =	swait.ge [sflag:s15], $0x4000  }
0x83: {  	[sflag:s15] =	ssyncset.done $0x0  }
0x84: {  	[sflag:s15] =	ssyncadd.s32 $0xFFFFC000  }
0x85: {  	_ =	swait.ge [sflag:s21], $0x4000  }
0x86: {  	[sflag:s21] =	ssyncset.done $0x0  }
0x87: {  	[sflag:s21] =	ssyncadd.s32 $0xFFFFC000  }
0x88: {  	[spmem:s2] =	stream.indirect.scatter.add.f32 [tilespmem:s20], [sflag:$0x3], $0x80, s23, s18, $0xb8;
	[tilespmem:$0x1E800] =	vst v63  }
0x89: {  	_ =	swait.ge [sflag:s15], $0x4000  }
0x8a: {  	s24 =	sadd.s32 $0x1, s24;
	[sflag:s15] =	ssyncset.done $0x0  }
0x8b: {  	p0 =	sne.s32 s24, s13;
	[sflag:s15] =	ssyncadd.s32 $0xFFFFC000  }
.Ltmp2:
0x8c: {  	s25 =	sor.u32 $0x1C03, s6;
	[bflag:$0x0] =	sbarrier.arrive $0xFFFF;
	(pc) =	sbr.rel @p0 .LBB2_1-.Ltmp2, $4  }
0x8d: {  	[hbm:s12], [sflag:s25] =	dma.local [spmem:s14], $0x2800  }
0x8e: {  	_ =	swait.ge [sflag:s15], $0x2800  }
0x8f: {  	[sflag:s15] =	ssyncset.done $0x0  }
0x90: {  	[sflag:s15] =	ssyncadd.s32 $0xFFFFD800  }
0x91: {  	_ =	sfence.sel $0x180000  }
0x92: {  	[bflag:$0x0] =	sbarrier.arrive $0xFFFF  }
0x93: {  	p0 =	sne.s32 s3, $0x0;
	_ =	strace $0x9000004A  }
0x94: {  	s0 =	sadd.s32 @!p0 $0x100000, s0;
	[bflag:$0x2] =	sbarrier.arrive $0xFFFF  }
0x95: {  	[sflag:s0] =	ssyncadd.tile.s32 @!p0 $0x1;
	_ =	shalt  }
.Lfunc_end2:
_tile_overlayer_lowered:
.L_overlay_start_2:
0x96: {  	(tag) =	ssettag $0x2  }
0x97: {  	s0 =	rddreg [dreg:$0x0];
	s2 =	stileid.u32  }
0x98: {  	s1 =	rddreg [dreg:$0x1];
	p0 =	sne.s32 s2, $0x0  }
0x99: {  	s3 =	rddreg [dreg:$0x2];
	[bflag:$0x3] =	sbarrier.arrive $0xFFFF;
	s2 =	simm.s32 @!p0 $0x1C03  }
0x9a: {  	[timem:s3], [sflag:s2] =	dma.local @!p0 [hbm:s0], s1  }
0x9b: {  	s0 =	simm.s32 @!p0 $0x3  }
0x9c: {  	_ =	swait.ge @!p0 [sflag:s0], s1  }
0x9d: {  	s1 =	ssub.s32 @!p0 $0x0, s1;
	[sflag:s0] =	ssyncset.done @!p0 $0x0  }
0x9e: {  	[sflag:s0] =	ssyncadd.s32 @!p0 s1  }
0x9f: {  	[bflag:$0x3] =	sbarrier.arrive $0xFFFF  }
0xa0: {  	_ =	shalt  }

</sc_bundles>
